<compile_context>
chip_gen: v7x
topology: tpu7x:2x2x1
jax: 0.10.2.dev20260603
libtpu: 0.0.44.dev20260713+nightly
codegen_flags: <defaults>
</compile_context>

<pallas_src>
import functools

import jax
import jax.numpy as jnp
import numpy as np
from jax.experimental import pallas as pl
from jax.experimental.pallas import tpu as pltpu
from jax.experimental.pallas import tpu_sc as plsc

_BINS = 10
_BLOCK_R = 512

_THRESH = [
    np.float32(np.log(e / (1.0 - e)))
    for e in (np.float64(np.float32(k) / np.float32(_BINS)) for k in range(1, _BINS))
]


def _ghm_kernel(x_ref, v_ref, out_ref, acc_ref):
    i = pl.program_id(0)
    nb = pl.num_programs(0)

    @pl.when(i == 0)
    def _init():
        for b in range(_BINS):
            acc_ref[0, b] = 0.0
            acc_ref[1, b] = 0.0

    x = x_ref[...]
    rows = x.shape[0]
    bce = jnp.maximum(x, 0.0) + jnp.log1p(jnp.exp(-jnp.abs(x)))
    bce_bf = bce.astype(jnp.bfloat16)

    lhs = jnp.full((8, rows), 0.125, dtype=jnp.bfloat16)

    def colsum(mat_bf):
        res = jax.lax.dot_general(
            lhs, mat_bf, (((1,), (0,)), ((), ())),
            preferred_element_type=jnp.float32)
        return jnp.sum(res)

    v = v_ref[...]
    bce0v = jnp.maximum(v, 0.0) + jnp.log1p(jnp.exp(-jnp.abs(v)))

    acc_ref[0, 0] += np.float32(x.size)
    acc_ref[1, 0] += colsum(bce_bf) - jnp.sum(v)
    for k in range(1, _BINS):
        thr = _THRESH[k - 1]
        m = x >= thr
        mp = v >= thr
        mn = v <= -thr
        acc_ref[0, k] += (colsum(m.astype(jnp.bfloat16))
                          + jnp.sum(jnp.where(mn, 1.0, 0.0))
                          - jnp.sum(jnp.where(mp, 1.0, 0.0)))
        acc_ref[1, k] += (colsum(jnp.where(m, bce_bf, jnp.bfloat16(0)))
                          + jnp.sum(jnp.where(mn, bce0v - v, 0.0))
                          - jnp.sum(jnp.where(mp, bce0v, 0.0)))

    @pl.when(i == nb - 1)
    def _finish():
        n = jnp.float32(0.0)
        total = jnp.float32(0.0)
        for b in range(_BINS):
            if b < _BINS - 1:
                cb = acc_ref[0, b] - acc_ref[0, b + 1]
                sb = acc_ref[1, b] - acc_ref[1, b + 1]
            else:
                cb = acc_ref[0, b]
                sb = acc_ref[1, b]
            nonempty = cb > 0.0
            n = n + jnp.where(nonempty, 1.0, 0.0)
            total = total + jnp.where(nonempty, sb / jnp.maximum(cb, 1.0), 0.0)
        out_ref[0, 0] = total / jnp.maximum(n, 1.0)


def _sc_gather(xflat, addr):
    info = plsc.get_sparse_core_info()
    nc, ns = info.num_cores, info.num_subcores
    nw = nc * ns
    b = addr.shape[0]
    b_per_w = b // nw
    mesh = plsc.VectorSubcoreMesh(core_axis_name="c", subcore_axis_name="s")

    @functools.partial(
        pl.kernel, mesh=mesh,
        out_type=jax.ShapeDtypeStruct((b,), jnp.float32),
        scratch_types=[
            pltpu.VMEM((b_per_w,), jnp.int32),
            pltpu.VMEM((b_per_w,), jnp.float32),
            pltpu.SemaphoreType.DMA,
        ],
    )
    def gather_k(xflat_hbm, addr_hbm, out_hbm, idx_v, val_v, sem):
        wid = jax.lax.axis_index("s") * nc + jax.lax.axis_index("c")
        base = wid * b_per_w
        pltpu.sync_copy(addr_hbm.at[pl.ds(base, b_per_w)], idx_v)
        pltpu.async_copy(xflat_hbm.at[idx_v], val_v, sem).wait()
        pltpu.sync_copy(val_v, out_hbm.at[pl.ds(base, b_per_w)])

    return gather_k(xflat, addr)


def kernel(input, target):
    rows, cols = input.shape
    addr = jnp.arange(rows, dtype=jnp.int32) * cols + target.astype(jnp.int32)
    xtv = _sc_gather(input.reshape(-1), addr)

    block_r = min(_BLOCK_R, rows)
    grid = rows // block_r
    out = pl.pallas_call(
        _ghm_kernel,
        grid=(grid,),
        in_specs=[
            pl.BlockSpec((block_r, cols), lambda i: (i, 0)),
            pl.BlockSpec((block_r,), lambda i: (i,)),
        ],
        out_specs=pl.BlockSpec(memory_space=pltpu.SMEM),
        out_shape=jax.ShapeDtypeStruct((1, 1), jnp.float32),
        scratch_shapes=[pltpu.SMEM((2, _BINS), jnp.float32)],
    )(input, xtv)
    return out[0, 0]

# --- scband reference (transcript-rebuilt; emitter-appended) ---
"""Pipeline reference for scband-ghmc-34995393527862 (READ-ONLY COPY).

The authoritative reference and input builder live on the scoring server;
editing this copy changes nothing except your own understanding.
"""

import jax, jax.numpy as jnp
import numpy as np

BINS = 10
MOMENTUM = 0.0

def setup_inputs(seed: int = 0) -> dict:
    key = jax.random.key(seed)
    k1, k2 = jax.random.split(key)
    inp = jax.random.normal(k1, (16384, 1000), dtype=jnp.float32)
    target = jax.random.randint(k2, (16384,), 0, 1000)
    return {"input": inp, "target": target}

def reference(input, target):
    bins = BINS
    edges = jnp.arange(bins + 1, dtype=jnp.float32) / bins
    edges = edges.at[-1].add(1e-6)
    class_num = input.shape[-1]
    target_one_hot = (target[:, None] == jnp.arange(class_num)).astype(jnp.float32)
    mask = jnp.ones_like(input)
    g = jnp.abs(jax.lax.stop_gradient(jax.nn.sigmoid(input)) - target_one_hot)
    valid = mask > 0
    tot = jnp.maximum(valid.astype(jnp.float32).sum(), 1.0)
    weights = jnp.zeros_like(input)
    n = jnp.array(0.0, dtype=jnp.float32)
    for i in range(bins):
        inds = (g >= edges[i]) & (g < edges[i + 1]) & valid
        num_in_bin = inds.astype(jnp.float32).sum()
        w_val = jnp.where(num_in_bin > 0, tot / jnp.maximum(num_in_bin, 1.0), 0.0)
        weights = weights + inds.astype(jnp.float32) * w_val
        n = n + (num_in_bin > 0).astype(jnp.float32)
    weights = jnp.where(n > 0, weights / jnp.maximum(n, 1.0), weights)
    # binary_cross_entropy_with_logits with per-element weights, reduction='sum'
    x = input
    t = target_one_hot
    bce = jnp.maximum(x, 0.0) - x * t + jnp.log1p(jnp.exp(-jnp.abs(x)))
    loss = jnp.sum(weights * bce) / tot
    return loss

if __name__ == "__main__":
    import jax
    _d = setup_inputs()
    print(jax.jit(kernel)(*tuple(_d.values())))

</pallas_src>

<mosaic_0001>
#map = affine_map<(d0, d1) -> (0)>
module attributes {stable_mosaic.version = 14 : i64} {
  func.func @gather_k(%arg0: i32, %arg1: i32, %arg2: memref<16384000xf32, #tpu.memory_space<hbm>>, %arg3: memref<16384xi32, #tpu.memory_space<hbm>>, %arg4: memref<16384xf32, #tpu.memory_space<hbm>>, %arg5: memref<512xi32, #tpu.memory_space<vmem>>, %arg6: memref<512xf32, #tpu.memory_space<vmem>>, %arg7: memref<!tpu.dma_semaphore, #tpu.memory_space<semaphore_mem>>) attributes {dimension_semantics = [#tpu.dimension_semantics<core_parallel>, #tpu.dimension_semantics<subcore_parallel>], iteration_bounds = array<i64: 2, 16>, scalar_prefetch = 0 : i64, scratch_operands = 3 : i64, tpu.core_type = #tpu.core_type<sc_vector_subcore>, window_params = [{transform_indices = #map}, {transform_indices = #map}, {transform_indices = #map}]} {
    %mul3A = arith.constant 2 : i32
    %mul3A_0 = arith.muli %arg1, %mul3A : i32
    %add3A = arith.addi %mul3A_0, %arg0 : i32
    %mul3A_1 = arith.constant 512 : i32
    %mul3A_2 = arith.muli %add3A, %mul3A_1 : i32
    "tpu.region"() ({
      %run_scoped3A = tpu.sem_alloc : memref<!tpu.dma_semaphore, #tpu.memory_space<semaphore_mem>>
      %dma_start3A_5 = tpu.memref_slice %arg3[%mul3A_2] : memref<16384xi32, #tpu.memory_space<hbm>> -> memref<512xi32, #tpu.memory_space<hbm>>
      %dma_start3A_6 = tpu.memref_slice %arg3[%mul3A_2] : memref<16384xi32, #tpu.memory_space<hbm>> -> memref<512xi32, #tpu.memory_space<hbm>>
      tpu.enqueue_dma source(%dma_start3A_6 : memref<512xi32, #tpu.memory_space<hbm>>) target(%arg5 : memref<512xi32, #tpu.memory_space<vmem>>) target_semaphore(%run_scoped3A : memref<!tpu.dma_semaphore, #tpu.memory_space<semaphore_mem>>)
      %dma_wait3A_7 = tpu.memref_slice %arg3[%mul3A_2] : memref<16384xi32, #tpu.memory_space<hbm>> -> memref<512xi32, #tpu.memory_space<hbm>>
      %dma_wait3A_8 = tpu.memref_slice %arg3[%mul3A_2] : memref<16384xi32, #tpu.memory_space<hbm>> -> memref<512xi32, #tpu.memory_space<hbm>>
      tpu.wait_dma2 semaphore(%run_scoped3A : memref<!tpu.dma_semaphore, #tpu.memory_space<semaphore_mem>>) src(%dma_wait3A_8 : memref<512xi32, #tpu.memory_space<hbm>>) dst(%arg5 : memref<512xi32, #tpu.memory_space<vmem>>)
      tpu.yield
    }) : () -> ()
    %dma_start3A = arith.constant 0 : i32
    %dma_start3A_3 = tpu.memref_slice %arg2[%dma_start3A] : memref<16384000xf32, #tpu.memory_space<hbm>> -> memref<16384000xf32, #tpu.memory_space<hbm>>
    tpu.enqueue_indirect_dma source(%dma_start3A_3 : memref<16384000xf32, #tpu.memory_space<hbm>>) target(%arg6 : memref<512xf32, #tpu.memory_space<vmem>>) offsets(%arg5 : memref<512xi32, #tpu.memory_space<vmem>>) semaphore(%arg7 : memref<!tpu.dma_semaphore, #tpu.memory_space<semaphore_mem>>)
    %dma_wait3A = arith.constant 0 : i32
    %dma_wait3A_4 = tpu.memref_slice %arg2[%dma_wait3A] : memref<16384000xf32, #tpu.memory_space<hbm>> -> memref<16384000xf32, #tpu.memory_space<hbm>>
    tpu.wait_indirect_dma semaphore(%arg7 : memref<!tpu.dma_semaphore, #tpu.memory_space<semaphore_mem>>) src(%dma_wait3A_4 : memref<16384000xf32, #tpu.memory_space<hbm>>) dst(%arg6 : memref<512xf32, #tpu.memory_space<vmem>>)
    "tpu.region"() ({
      %run_scoped3A = tpu.sem_alloc : memref<!tpu.dma_semaphore, #tpu.memory_space<semaphore_mem>>
      %dma_start3A_5 = tpu.memref_slice %arg4[%mul3A_2] : memref<16384xf32, #tpu.memory_space<hbm>> -> memref<512xf32, #tpu.memory_space<hbm>>
      %dma_start3A_6 = tpu.memref_slice %arg4[%mul3A_2] : memref<16384xf32, #tpu.memory_space<hbm>> -> memref<512xf32, #tpu.memory_space<hbm>>
      tpu.enqueue_dma source(%arg6 : memref<512xf32, #tpu.memory_space<vmem>>) target(%dma_start3A_6 : memref<512xf32, #tpu.memory_space<hbm>>) target_semaphore(%run_scoped3A : memref<!tpu.dma_semaphore, #tpu.memory_space<semaphore_mem>>)
      %dma_wait3A_7 = tpu.memref_slice %arg4[%mul3A_2] : memref<16384xf32, #tpu.memory_space<hbm>> -> memref<512xf32, #tpu.memory_space<hbm>>
      %dma_wait3A_8 = tpu.memref_slice %arg4[%mul3A_2] : memref<16384xf32, #tpu.memory_space<hbm>> -> memref<512xf32, #tpu.memory_space<hbm>>
      tpu.wait_dma2 semaphore(%run_scoped3A : memref<!tpu.dma_semaphore, #tpu.memory_space<semaphore_mem>>) src(%arg6 : memref<512xf32, #tpu.memory_space<vmem>>) dst(%dma_wait3A_8 : memref<512xf32, #tpu.memory_space<hbm>>)
      tpu.yield
    }) : () -> ()
    return
  }
}

module attributes {stable_mosaic.version = 14 : i64} {
  func.func @_ghm_kernel(%arg0: i32, %arg1: memref<512x1000xf32, #tpu.memory_space<vmem>>, %arg2: memref<512xf32, #tpu.memory_space<vmem>>, %arg3: memref<1x1xf32, #tpu.memory_space<smem>>, %arg4: memref<2x10xf32, #tpu.memory_space<smem>>) attributes {dimension_semantics = [#tpu.dimension_semantics<arbitrary>], iteration_bounds = array<i64: 32>, scalar_prefetch = 0 : i64, scratch_operands = 1 : i64, tpu.core_type = #tpu.core_type<tc>, window_params = [{transform_indices = @transform_0, window_bounds = array<i64: 512, 1000>}, {transform_indices = @transform_1, window_bounds = array<i64: 512>}, {transform_indices = @transform_2, window_bounds = array<i64: 1, 1>}]} {
    %eq3A = arith.constant 0 : i32
    %eq3A_0 = arith.cmpi eq, %arg0, %eq3A : i32
    %convert_element_type3A = arith.extui %eq3A_0 : i1 to i32
    %cond3A = arith.constant 0 : i32
    %cond3A_1 = arith.cmpi ne, %convert_element_type3A, %cond3A : i32
    scf.if %cond3A_1 {
      %swap3A_803 = arith.constant 0.000000e+00 : f32
      %swap3A_804 = arith.constant 0 : index
      %swap3A_805 = arith.constant 0 : index
      %swap3A_806 = memref.load %arg4[%swap3A_804, %swap3A_805] : memref<2x10xf32, #tpu.memory_space<smem>>
      memref.store %swap3A_803, %arg4[%swap3A_804, %swap3A_805] : memref<2x10xf32, #tpu.memory_space<smem>>
      %swap3A_807 = arith.constant 0.000000e+00 : f32
      %swap3A_808 = arith.constant 1 : index
      %swap3A_809 = arith.constant 0 : index
      %swap3A_810 = memref.load %arg4[%swap3A_808, %swap3A_809] : memref<2x10xf32, #tpu.memory_space<smem>>
      memref.store %swap3A_807, %arg4[%swap3A_808, %swap3A_809] : memref<2x10xf32, #tpu.memory_space<smem>>
      %swap3A_811 = arith.constant 0.000000e+00 : f32
      %swap3A_812 = arith.constant 0 : index
      %swap3A_813 = arith.constant 1 : index
      %swap3A_814 = memref.load %arg4[%swap3A_812, %swap3A_813] : memref<2x10xf32, #tpu.memory_space<smem>>
      memref.store %swap3A_811, %arg4[%swap3A_812, %swap3A_813] : memref<2x10xf32, #tpu.memory_space<smem>>
      %swap3A_815 = arith.constant 0.000000e+00 : f32
      %swap3A_816 = arith.constant 1 : index
      %swap3A_817 = arith.constant 1 : index
      %swap3A_818 = memref.load %arg4[%swap3A_816, %swap3A_817] : memref<2x10xf32, #tpu.memory_space<smem>>
      memref.store %swap3A_815, %arg4[%swap3A_816, %swap3A_817] : memref<2x10xf32, #tpu.memory_space<smem>>
      %swap3A_819 = arith.constant 0.000000e+00 : f32
      %swap3A_820 = arith.constant 0 : index
      %swap3A_821 = arith.constant 2 : index
      %swap3A_822 = memref.load %arg4[%swap3A_820, %swap3A_821] : memref<2x10xf32, #tpu.memory_space<smem>>
      memref.store %swap3A_819, %arg4[%swap3A_820, %swap3A_821] : memref<2x10xf32, #tpu.memory_space<smem>>
      %swap3A_823 = arith.constant 0.000000e+00 : f32
      %swap3A_824 = arith.constant 1 : index
      %swap3A_825 = arith.constant 2 : index
      %swap3A_826 = memref.load %arg4[%swap3A_824, %swap3A_825] : memref<2x10xf32, #tpu.memory_space<smem>>
      memref.store %swap3A_823, %arg4[%swap3A_824, %swap3A_825] : memref<2x10xf32, #tpu.memory_space<smem>>
      %swap3A_827 = arith.constant 0.000000e+00 : f32
      %swap3A_828 = arith.constant 0 : index
      %swap3A_829 = arith.constant 3 : index
      %swap3A_830 = memref.load %arg4[%swap3A_828, %swap3A_829] : memref<2x10xf32, #tpu.memory_space<smem>>
      memref.store %swap3A_827, %arg4[%swap3A_828, %swap3A_829] : memref<2x10xf32, #tpu.memory_space<smem>>
      %swap3A_831 = arith.constant 0.000000e+00 : f32
      %swap3A_832 = arith.constant 1 : index
      %swap3A_833 = arith.constant 3 : index
      %swap3A_834 = memref.load %arg4[%swap3A_832, %swap3A_833] : memref<2x10xf32, #tpu.memory_space<smem>>
      memref.store %swap3A_831, %arg4[%swap3A_832, %swap3A_833] : memref<2x10xf32, #tpu.memory_space<smem>>
      %swap3A_835 = arith.constant 0.000000e+00 : f32
      %swap3A_836 = arith.constant 0 : index
      %swap3A_837 = arith.constant 4 : index
      %swap3A_838 = memref.load %arg4[%swap3A_836, %swap3A_837] : memref<2x10xf32, #tpu.memory_space<smem>>
      memref.store %swap3A_835, %arg4[%swap3A_836, %swap3A_837] : memref<2x10xf32, #tpu.memory_space<smem>>
      %swap3A_839 = arith.constant 0.000000e+00 : f32
      %swap3A_840 = arith.constant 1 : index
      %swap3A_841 = arith.constant 4 : index
      %swap3A_842 = memref.load %arg4[%swap3A_840, %swap3A_841] : memref<2x10xf32, #tpu.memory_space<smem>>
      memref.store %swap3A_839, %arg4[%swap3A_840, %swap3A_841] : memref<2x10xf32, #tpu.memory_space<smem>>
      %swap3A_843 = arith.constant 0.000000e+00 : f32
      %swap3A_844 = arith.constant 0 : index
      %swap3A_845 = arith.constant 5 : index
      %swap3A_846 = memref.load %arg4[%swap3A_844, %swap3A_845] : memref<2x10xf32, #tpu.memory_space<smem>>
      memref.store %swap3A_843, %arg4[%swap3A_844, %swap3A_845] : memref<2x10xf32, #tpu.memory_space<smem>>
      %swap3A_847 = arith.constant 0.000000e+00 : f32
      %swap3A_848 = arith.constant 1 : index
      %swap3A_849 = arith.constant 5 : index
      %swap3A_850 = memref.load %arg4[%swap3A_848, %swap3A_849] : memref<2x10xf32, #tpu.memory_space<smem>>
      memref.store %swap3A_847, %arg4[%swap3A_848, %swap3A_849] : memref<2x10xf32, #tpu.memory_space<smem>>
      %swap3A_851 = arith.constant 0.000000e+00 : f32
      %swap3A_852 = arith.constant 0 : index
      %swap3A_853 = arith.constant 6 : index
      %swap3A_854 = memref.load %arg4[%swap3A_852, %swap3A_853] : memref<2x10xf32, #tpu.memory_space<smem>>
      memref.store %swap3A_851, %arg4[%swap3A_852, %swap3A_853] : memref<2x10xf32, #tpu.memory_space<smem>>
      %swap3A_855 = arith.constant 0.000000e+00 : f32
      %swap3A_856 = arith.constant 1 : index
      %swap3A_857 = arith.constant 6 : index
      %swap3A_858 = memref.load %arg4[%swap3A_856, %swap3A_857] : memref<2x10xf32, #tpu.memory_space<smem>>
      memref.store %swap3A_855, %arg4[%swap3A_856, %swap3A_857] : memref<2x10xf32, #tpu.memory_space<smem>>
      %swap3A_859 = arith.constant 0.000000e+00 : f32
      %swap3A_860 = arith.constant 0 : index
      %swap3A_861 = arith.constant 7 : index
      %swap3A_862 = memref.load %arg4[%swap3A_860, %swap3A_861] : memref<2x10xf32, #tpu.memory_space<smem>>
      memref.store %swap3A_859, %arg4[%swap3A_860, %swap3A_861] : memref<2x10xf32, #tpu.memory_space<smem>>
      %swap3A_863 = arith.constant 0.000000e+00 : f32
      %swap3A_864 = arith.constant 1 : index
      %swap3A_865 = arith.constant 7 : index
      %swap3A_866 = memref.load %arg4[%swap3A_864, %swap3A_865] : memref<2x10xf32, #tpu.memory_space<smem>>
      memref.store %swap3A_863, %arg4[%swap3A_864, %swap3A_865] : memref<2x10xf32, #tpu.memory_space<smem>>
      %swap3A_867 = arith.constant 0.000000e+00 : f32
      %swap3A_868 = arith.constant 0 : index
      %swap3A_869 = arith.constant 8 : index
      %swap3A_870 = memref.load %arg4[%swap3A_868, %swap3A_869] : memref<2x10xf32, #tpu.memory_space<smem>>
      memref.store %swap3A_867, %arg4[%swap3A_868, %swap3A_869] : memref<2x10xf32, #tpu.memory_space<smem>>
      %swap3A_871 = arith.constant 0.000000e+00 : f32
      %swap3A_872 = arith.constant 1 : index
      %swap3A_873 = arith.constant 8 : index
      %swap3A_874 = memref.load %arg4[%swap3A_872, %swap3A_873] : memref<2x10xf32, #tpu.memory_space<smem>>
      memref.store %swap3A_871, %arg4[%swap3A_872, %swap3A_873] : memref<2x10xf32, #tpu.memory_space<smem>>
      %swap3A_875 = arith.constant 0.000000e+00 : f32
      %swap3A_876 = arith.constant 0 : index
      %swap3A_877 = arith.constant 9 : index
      %swap3A_878 = memref.load %arg4[%swap3A_876, %swap3A_877] : memref<2x10xf32, #tpu.memory_space<smem>>
      memref.store %swap3A_875, %arg4[%swap3A_876, %swap3A_877] : memref<2x10xf32, #tpu.memory_space<smem>>
      %swap3A_879 = arith.constant 0.000000e+00 : f32
      %swap3A_880 = arith.constant 1 : index
      %swap3A_881 = arith.constant 9 : index
      %swap3A_882 = memref.load %arg4[%swap3A_880, %swap3A_881] : memref<2x10xf32, #tpu.memory_space<smem>>
      memref.store %swap3A_879, %arg4[%swap3A_880, %swap3A_881] : memref<2x10xf32, #tpu.memory_space<smem>>
    } else {
    }
    %get3A = arith.constant 0 : index
    %get3A_2 = arith.constant 0 : index
    %get3A_3 = vector.load %arg1[%get3A, %get3A_2] : memref<512x1000xf32, #tpu.memory_space<vmem>>, vector<512x1000xf32>
    %max3A = arith.constant 0.000000e+00 : f32
    %max3A_4 = vector.broadcast %max3A : f32 to vector<512x1000xf32>
    %max3A_5 = arith.maximumf %get3A_3, %max3A_4 : vector<512x1000xf32>
    %abs3A = math.absf %get3A_3 : vector<512x1000xf32>
    %neg3A = arith.constant 0.000000e+00 : f32
    %neg3A_6 = vector.broadcast %neg3A : f32 to vector<512x1000xf32>
    %neg3A_7 = arith.subf %neg3A_6, %abs3A : vector<512x1000xf32>
    %exp3A = math.exp %neg3A_7 : vector<512x1000xf32>
    %log1p3A = math.log1p %exp3A : vector<512x1000xf32>
    %add3A = arith.addf %max3A_5, %log1p3A : vector<512x1000xf32>
    %convert_element_type3A_8 = arith.truncf %add3A : vector<512x1000xf32> to vector<512x1000xbf16>
    %broadcast_in_dim3A = arith.constant 1.250000e-01 : bf16
    %broadcast_in_dim3A_9 = vector.broadcast %broadcast_in_dim3A : bf16 to vector<8x512xbf16>
    %get3A_10 = arith.constant 0 : index
    %get3A_11 = vector.load %arg2[%get3A_10] : memref<512xf32, #tpu.memory_space<vmem>>, vector<512xf32>
    %max3A_12 = arith.constant 0.000000e+00 : f32
    %max3A_13 = vector.broadcast %max3A_12 : f32 to vector<512xf32>
    %max3A_14 = arith.maximumf %get3A_11, %max3A_13 : vector<512xf32>
    %abs3A_15 = math.absf %get3A_11 : vector<512xf32>
    %neg3A_16 = arith.constant 0.000000e+00 : f32
    %neg3A_17 = vector.broadcast %neg3A_16 : f32 to vector<512xf32>
    %neg3A_18 = arith.subf %neg3A_17, %abs3A_15 : vector<512xf32>
    %exp3A_19 = math.exp %neg3A_18 : vector<512xf32>
    %log1p3A_20 = math.log1p %exp3A_19 : vector<512xf32>
    %add3A_21 = arith.addf %max3A_14, %log1p3A_20 : vector<512xf32>
    %get3A_22 = arith.constant 0 : index
    %get3A_23 = arith.constant 0 : index
    %get3A_24 = memref.load %arg4[%get3A_22, %get3A_23] : memref<2x10xf32, #tpu.memory_space<smem>>
    %add3A_25 = arith.constant 5.120000e+05 : f32
    %add3A_26 = arith.addf %get3A_24, %add3A_25 : f32
    %swap3A = arith.constant 0 : index
    %swap3A_27 = arith.constant 0 : index
    %swap3A_28 = memref.load %arg4[%swap3A, %swap3A_27] : memref<2x10xf32, #tpu.memory_space<smem>>
    memref.store %add3A_26, %arg4[%swap3A, %swap3A_27] : memref<2x10xf32, #tpu.memory_space<smem>>
    %get3A_29 = arith.constant 1 : index
    %get3A_30 = arith.constant 0 : index
    %get3A_31 = memref.load %arg4[%get3A_29, %get3A_30] : memref<2x10xf32, #tpu.memory_space<smem>>
    %dot_general3A = arith.constant dense<0.000000e+00> : vector<8x1000xf32>
    %dot_general3A_32 = tpu.matmul %broadcast_in_dim3A_9, %convert_element_type3A_8, %dot_general3A {dimension_numbers = #tpu.dot_dimension_numbers<[1], [0], [0], [1], [0, 0, 1, 1], [], []>, transpose_lhs_hint = false} : vector<8x512xbf16>, vector<512x1000xbf16>, vector<8x1000xf32> -> vector<8x1000xf32>
    %reduce_sum3A = vector.shape_cast %dot_general3A_32 : vector<8x1000xf32> to vector<1x8x1000xf32>
    %reduce_sum3A_33 = arith.constant dense<0.000000e+00> : vector<1xf32>
    %reduce_sum3A_34 = vector.multi_reduction <add>, %reduce_sum3A, %reduce_sum3A_33 [1, 2] : vector<1x8x1000xf32> to vector<1xf32>
    %reduce_sum3A_35 = vector.shape_cast %reduce_sum3A_34 : vector<1xf32> to vector<1x1x1xf32>
    %reduce_sum3A_36 = vector.extract %reduce_sum3A_35[0, 0, 0] : f32 from vector<1x1x1xf32>
    %reduce_sum3A_37 = vector.shape_cast %get3A_11 : vector<512xf32> to vector<1x512xf32>
    %reduce_sum3A_38 = arith.constant dense<0.000000e+00> : vector<1xf32>
    %reduce_sum3A_39 = vector.multi_reduction <add>, %reduce_sum3A_37, %reduce_sum3A_38 [1] : vector<1x512xf32> to vector<1xf32>
    %reduce_sum3A_40 = vector.shape_cast %reduce_sum3A_39 : vector<1xf32> to vector<1x1xf32>
    %reduce_sum3A_41 = vector.extract %reduce_sum3A_40[0, 0] : f32 from vector<1x1xf32>
    %sub3A = arith.subf %reduce_sum3A_36, %reduce_sum3A_41 : f32
    %add3A_42 = arith.addf %get3A_31, %sub3A : f32
    %swap3A_43 = arith.constant 1 : index
    %swap3A_44 = arith.constant 0 : index
    %swap3A_45 = memref.load %arg4[%swap3A_43, %swap3A_44] : memref<2x10xf32, #tpu.memory_space<smem>>
    memref.store %add3A_42, %arg4[%swap3A_43, %swap3A_44] : memref<2x10xf32, #tpu.memory_space<smem>>
    %ge3A = arith.constant -2.19722462 : f32
    %ge3A_46 = vector.broadcast %ge3A : f32 to vector<512x1000xf32>
    %ge3A_47 = arith.cmpf oge, %get3A_3, %ge3A_46 : vector<512x1000xf32>
    %ge3A_48 = arith.constant -2.19722462 : f32
    %ge3A_49 = vector.broadcast %ge3A_48 : f32 to vector<512xf32>
    %ge3A_50 = arith.cmpf oge, %get3A_11, %ge3A_49 : vector<512xf32>
    %le3A = arith.constant 2.19722462 : f32
    %le3A_51 = vector.broadcast %le3A : f32 to vector<512xf32>
    %le3A_52 = arith.cmpf ole, %get3A_11, %le3A_51 : vector<512xf32>
    %get3A_53 = arith.constant 0 : index
    %get3A_54 = arith.constant 1 : index
    %get3A_55 = memref.load %arg4[%get3A_53, %get3A_54] : memref<2x10xf32, #tpu.memory_space<smem>>
    %convert_element_type3A_56 = arith.extui %ge3A_47 : vector<512x1000xi1> to vector<512x1000xi32>
    %convert_element_type3A_57 = arith.sitofp %convert_element_type3A_56 : vector<512x1000xi32> to vector<512x1000xf32>
    %convert_element_type3A_58 = arith.truncf %convert_element_type3A_57 : vector<512x1000xf32> to vector<512x1000xbf16>
    %dot_general3A_59 = arith.constant dense<0.000000e+00> : vector<8x1000xf32>
    %dot_general3A_60 = tpu.matmul %broadcast_in_dim3A_9, %convert_element_type3A_58, %dot_general3A_59 {dimension_numbers = #tpu.dot_dimension_numbers<[1], [0], [0], [1], [0, 0, 1, 1], [], []>, transpose_lhs_hint = false} : vector<8x512xbf16>, vector<512x1000xbf16>, vector<8x1000xf32> -> vector<8x1000xf32>
    %reduce_sum3A_61 = vector.shape_cast %dot_general3A_60 : vector<8x1000xf32> to vector<1x8x1000xf32>
    %reduce_sum3A_62 = arith.constant dense<0.000000e+00> : vector<1xf32>
    %reduce_sum3A_63 = vector.multi_reduction <add>, %reduce_sum3A_61, %reduce_sum3A_62 [1, 2] : vector<1x8x1000xf32> to vector<1xf32>
    %reduce_sum3A_64 = vector.shape_cast %reduce_sum3A_63 : vector<1xf32> to vector<1x1x1xf32>
    %reduce_sum3A_65 = vector.extract %reduce_sum3A_64[0, 0, 0] : f32 from vector<1x1x1xf32>
    %jit3A = arith.constant 1.000000e+00 : f32
    %jit3A_66 = arith.constant 0.000000e+00 : f32
    %broadcast_in_dim3A_67 = vector.broadcast %jit3A : f32 to vector<512xf32>
    %broadcast_in_dim3A_68 = vector.broadcast %jit3A_66 : f32 to vector<512xf32>
    %select_n3A = arith.select %le3A_52, %broadcast_in_dim3A_67, %broadcast_in_dim3A_68 : vector<512xi1>, vector<512xf32>
    %reduce_sum3A_69 = vector.shape_cast %select_n3A : vector<512xf32> to vector<1x512xf32>
    %reduce_sum3A_70 = arith.constant dense<0.000000e+00> : vector<1xf32>
    %reduce_sum3A_71 = vector.multi_reduction <add>, %reduce_sum3A_69, %reduce_sum3A_70 [1] : vector<1x512xf32> to vector<1xf32>
    %reduce_sum3A_72 = vector.shape_cast %reduce_sum3A_71 : vector<1xf32> to vector<1x1xf32>
    %reduce_sum3A_73 = vector.extract %reduce_sum3A_72[0, 0] : f32 from vector<1x1xf32>
    %add3A_74 = arith.addf %reduce_sum3A_65, %reduce_sum3A_73 : f32
    %jit3A_75 = arith.constant 1.000000e+00 : f32
    %jit3A_76 = arith.constant 0.000000e+00 : f32
    %broadcast_in_dim3A_77 = vector.broadcast %jit3A_75 : f32 to vector<512xf32>
    %broadcast_in_dim3A_78 = vector.broadcast %jit3A_76 : f32 to vector<512xf32>
    %select_n3A_79 = arith.select %ge3A_50, %broadcast_in_dim3A_77, %broadcast_in_dim3A_78 : vector<512xi1>, vector<512xf32>
    %reduce_sum3A_80 = vector.shape_cast %select_n3A_79 : vector<512xf32> to vector<1x512xf32>
    %reduce_sum3A_81 = arith.constant dense<0.000000e+00> : vector<1xf32>
    %reduce_sum3A_82 = vector.multi_reduction <add>, %reduce_sum3A_80, %reduce_sum3A_81 [1] : vector<1x512xf32> to vector<1xf32>
    %reduce_sum3A_83 = vector.shape_cast %reduce_sum3A_82 : vector<1xf32> to vector<1x1xf32>
    %reduce_sum3A_84 = vector.extract %reduce_sum3A_83[0, 0] : f32 from vector<1x1xf32>
    %sub3A_85 = arith.subf %add3A_74, %reduce_sum3A_84 : f32
    %add3A_86 = arith.addf %get3A_55, %sub3A_85 : f32
    %swap3A_87 = arith.constant 0 : index
    %swap3A_88 = arith.constant 1 : index
    %swap3A_89 = memref.load %arg4[%swap3A_87, %swap3A_88] : memref<2x10xf32, #tpu.memory_space<smem>>
    memref.store %add3A_86, %arg4[%swap3A_87, %swap3A_88] : memref<2x10xf32, #tpu.memory_space<smem>>
    %get3A_90 = arith.constant 1 : index
    %get3A_91 = arith.constant 1 : index
    %get3A_92 = memref.load %arg4[%get3A_90, %get3A_91] : memref<2x10xf32, #tpu.memory_space<smem>>
    %jit3A_93 = arith.constant 0.000000e+00 : bf16
    %broadcast_in_dim3A_94 = vector.broadcast %jit3A_93 : bf16 to vector<512x1000xbf16>
    %select_n3A_95 = arith.select %ge3A_47, %convert_element_type3A_8, %broadcast_in_dim3A_94 : vector<512x1000xi1>, vector<512x1000xbf16>
    %dot_general3A_96 = arith.constant dense<0.000000e+00> : vector<8x1000xf32>
    %dot_general3A_97 = tpu.matmul %broadcast_in_dim3A_9, %select_n3A_95, %dot_general3A_96 {dimension_numbers = #tpu.dot_dimension_numbers<[1], [0], [0], [1], [0, 0, 1, 1], [], []>, transpose_lhs_hint = false} : vector<8x512xbf16>, vector<512x1000xbf16>, vector<8x1000xf32> -> vector<8x1000xf32>
    %reduce_sum3A_98 = vector.shape_cast %dot_general3A_97 : vector<8x1000xf32> to vector<1x8x1000xf32>
    %reduce_sum3A_99 = arith.constant dense<0.000000e+00> : vector<1xf32>
    %reduce_sum3A_100 = vector.multi_reduction <add>, %reduce_sum3A_98, %reduce_sum3A_99 [1, 2] : vector<1x8x1000xf32> to vector<1xf32>
    %reduce_sum3A_101 = vector.shape_cast %reduce_sum3A_100 : vector<1xf32> to vector<1x1x1xf32>
    %reduce_sum3A_102 = vector.extract %reduce_sum3A_101[0, 0, 0] : f32 from vector<1x1x1xf32>
    %sub3A_103 = arith.subf %add3A_21, %get3A_11 : vector<512xf32>
    %jit3A_104 = arith.constant 0.000000e+00 : f32
    %broadcast_in_dim3A_105 = vector.broadcast %jit3A_104 : f32 to vector<512xf32>
    %select_n3A_106 = arith.select %le3A_52, %sub3A_103, %broadcast_in_dim3A_105 : vector<512xi1>, vector<512xf32>
    %reduce_sum3A_107 = vector.shape_cast %select_n3A_106 : vector<512xf32> to vector<1x512xf32>
    %reduce_sum3A_108 = arith.constant dense<0.000000e+00> : vector<1xf32>
    %reduce_sum3A_109 = vector.multi_reduction <add>, %reduce_sum3A_107, %reduce_sum3A_108 [1] : vector<1x512xf32> to vector<1xf32>
    %reduce_sum3A_110 = vector.shape_cast %reduce_sum3A_109 : vector<1xf32> to vector<1x1xf32>
    %reduce_sum3A_111 = vector.extract %reduce_sum3A_110[0, 0] : f32 from vector<1x1xf32>
    %add3A_112 = arith.addf %reduce_sum3A_102, %reduce_sum3A_111 : f32
    %jit3A_113 = arith.constant 0.000000e+00 : f32
    %broadcast_in_dim3A_114 = vector.broadcast %jit3A_113 : f32 to vector<512xf32>
    %select_n3A_115 = arith.select %ge3A_50, %add3A_21, %broadcast_in_dim3A_114 : vector<512xi1>, vector<512xf32>
    %reduce_sum3A_116 = vector.shape_cast %select_n3A_115 : vector<512xf32> to vector<1x512xf32>
    %reduce_sum3A_117 = arith.constant dense<0.000000e+00> : vector<1xf32>
    %reduce_sum3A_118 = vector.multi_reduction <add>, %reduce_sum3A_116, %reduce_sum3A_117 [1] : vector<1x512xf32> to vector<1xf32>
    %reduce_sum3A_119 = vector.shape_cast %reduce_sum3A_118 : vector<1xf32> to vector<1x1xf32>
    %reduce_sum3A_120 = vector.extract %reduce_sum3A_119[0, 0] : f32 from vector<1x1xf32>
    %sub3A_121 = arith.subf %add3A_112, %reduce_sum3A_120 : f32
    %add3A_122 = arith.addf %get3A_92, %sub3A_121 : f32
    %swap3A_123 = arith.constant 1 : index
    %swap3A_124 = arith.constant 1 : index
    %swap3A_125 = memref.load %arg4[%swap3A_123, %swap3A_124] : memref<2x10xf32, #tpu.memory_space<smem>>
    memref.store %add3A_122, %arg4[%swap3A_123, %swap3A_124] : memref<2x10xf32, #tpu.memory_space<smem>>
    %ge3A_126 = arith.constant -1.38629436 : f32
    %ge3A_127 = vector.broadcast %ge3A_126 : f32 to vector<512x1000xf32>
    %ge3A_128 = arith.cmpf oge, %get3A_3, %ge3A_127 : vector<512x1000xf32>
    %ge3A_129 = arith.constant -1.38629436 : f32
    %ge3A_130 = vector.broadcast %ge3A_129 : f32 to vector<512xf32>
    %ge3A_131 = arith.cmpf oge, %get3A_11, %ge3A_130 : vector<512xf32>
    %le3A_132 = arith.constant 1.38629436 : f32
    %le3A_133 = vector.broadcast %le3A_132 : f32 to vector<512xf32>
    %le3A_134 = arith.cmpf ole, %get3A_11, %le3A_133 : vector<512xf32>
    %get3A_135 = arith.constant 0 : index
    %get3A_136 = arith.constant 2 : index
    %get3A_137 = memref.load %arg4[%get3A_135, %get3A_136] : memref<2x10xf32, #tpu.memory_space<smem>>
    %convert_element_type3A_138 = arith.extui %ge3A_128 : vector<512x1000xi1> to vector<512x1000xi32>
    %convert_element_type3A_139 = arith.sitofp %convert_element_type3A_138 : vector<512x1000xi32> to vector<512x1000xf32>
    %convert_element_type3A_140 = arith.truncf %convert_element_type3A_139 : vector<512x1000xf32> to vector<512x1000xbf16>
    %dot_general3A_141 = arith.constant dense<0.000000e+00> : vector<8x1000xf32>
    %dot_general3A_142 = tpu.matmul %broadcast_in_dim3A_9, %convert_element_type3A_140, %dot_general3A_141 {dimension_numbers = #tpu.dot_dimension_numbers<[1], [0], [0], [1], [0, 0, 1, 1], [], []>, transpose_lhs_hint = false} : vector<8x512xbf16>, vector<512x1000xbf16>, vector<8x1000xf32> -> vector<8x1000xf32>
    %reduce_sum3A_143 = vector.shape_cast %dot_general3A_142 : vector<8x1000xf32> to vector<1x8x1000xf32>
    %reduce_sum3A_144 = arith.constant dense<0.000000e+00> : vector<1xf32>
    %reduce_sum3A_145 = vector.multi_reduction <add>, %reduce_sum3A_143, %reduce_sum3A_144 [1, 2] : vector<1x8x1000xf32> to vector<1xf32>
    %reduce_sum3A_146 = vector.shape_cast %reduce_sum3A_145 : vector<1xf32> to vector<1x1x1xf32>
    %reduce_sum3A_147 = vector.extract %reduce_sum3A_146[0, 0, 0] : f32 from vector<1x1x1xf32>
    %jit3A_148 = arith.constant 1.000000e+00 : f32
    %jit3A_149 = arith.constant 0.000000e+00 : f32
    %broadcast_in_dim3A_150 = vector.broadcast %jit3A_148 : f32 to vector<512xf32>
    %broadcast_in_dim3A_151 = vector.broadcast %jit3A_149 : f32 to vector<512xf32>
    %select_n3A_152 = arith.select %le3A_134, %broadcast_in_dim3A_150, %broadcast_in_dim3A_151 : vector<512xi1>, vector<512xf32>
    %reduce_sum3A_153 = vector.shape_cast %select_n3A_152 : vector<512xf32> to vector<1x512xf32>
    %reduce_sum3A_154 = arith.constant dense<0.000000e+00> : vector<1xf32>
    %reduce_sum3A_155 = vector.multi_reduction <add>, %reduce_sum3A_153, %reduce_sum3A_154 [1] : vector<1x512xf32> to vector<1xf32>
    %reduce_sum3A_156 = vector.shape_cast %reduce_sum3A_155 : vector<1xf32> to vector<1x1xf32>
    %reduce_sum3A_157 = vector.extract %reduce_sum3A_156[0, 0] : f32 from vector<1x1xf32>
    %add3A_158 = arith.addf %reduce_sum3A_147, %reduce_sum3A_157 : f32
    %jit3A_159 = arith.constant 1.000000e+00 : f32
    %jit3A_160 = arith.constant 0.000000e+00 : f32
    %broadcast_in_dim3A_161 = vector.broadcast %jit3A_159 : f32 to vector<512xf32>
    %broadcast_in_dim3A_162 = vector.broadcast %jit3A_160 : f32 to vector<512xf32>
    %select_n3A_163 = arith.select %ge3A_131, %broadcast_in_dim3A_161, %broadcast_in_dim3A_162 : vector<512xi1>, vector<512xf32>
    %reduce_sum3A_164 = vector.shape_cast %select_n3A_163 : vector<512xf32> to vector<1x512xf32>
    %reduce_sum3A_165 = arith.constant dense<0.000000e+00> : vector<1xf32>
    %reduce_sum3A_166 = vector.multi_reduction <add>, %reduce_sum3A_164, %reduce_sum3A_165 [1] : vector<1x512xf32> to vector<1xf32>
    %reduce_sum3A_167 = vector.shape_cast %reduce_sum3A_166 : vector<1xf32> to vector<1x1xf32>
    %reduce_sum3A_168 = vector.extract %reduce_sum3A_167[0, 0] : f32 from vector<1x1xf32>
    %sub3A_169 = arith.subf %add3A_158, %reduce_sum3A_168 : f32
    %add3A_170 = arith.addf %get3A_137, %sub3A_169 : f32
    %swap3A_171 = arith.constant 0 : index
    %swap3A_172 = arith.constant 2 : index
    %swap3A_173 = memref.load %arg4[%swap3A_171, %swap3A_172] : memref<2x10xf32, #tpu.memory_space<smem>>
    memref.store %add3A_170, %arg4[%swap3A_171, %swap3A_172] : memref<2x10xf32, #tpu.memory_space<smem>>
    %get3A_174 = arith.constant 1 : index
    %get3A_175 = arith.constant 2 : index
    %get3A_176 = memref.load %arg4[%get3A_174, %get3A_175] : memref<2x10xf32, #tpu.memory_space<smem>>
    %jit3A_177 = arith.constant 0.000000e+00 : bf16
    %broadcast_in_dim3A_178 = vector.broadcast %jit3A_177 : bf16 to vector<512x1000xbf16>
    %select_n3A_179 = arith.select %ge3A_128, %convert_element_type3A_8, %broadcast_in_dim3A_178 : vector<512x1000xi1>, vector<512x1000xbf16>
    %dot_general3A_180 = arith.constant dense<0.000000e+00> : vector<8x1000xf32>
    %dot_general3A_181 = tpu.matmul %broadcast_in_dim3A_9, %select_n3A_179, %dot_general3A_180 {dimension_numbers = #tpu.dot_dimension_numbers<[1], [0], [0], [1], [0, 0, 1, 1], [], []>, transpose_lhs_hint = false} : vector<8x512xbf16>, vector<512x1000xbf16>, vector<8x1000xf32> -> vector<8x1000xf32>
    %reduce_sum3A_182 = vector.shape_cast %dot_general3A_181 : vector<8x1000xf32> to vector<1x8x1000xf32>
    %reduce_sum3A_183 = arith.constant dense<0.000000e+00> : vector<1xf32>
    %reduce_sum3A_184 = vector.multi_reduction <add>, %reduce_sum3A_182, %reduce_sum3A_183 [1, 2] : vector<1x8x1000xf32> to vector<1xf32>
    %reduce_sum3A_185 = vector.shape_cast %reduce_sum3A_184 : vector<1xf32> to vector<1x1x1xf32>
    %reduce_sum3A_186 = vector.extract %reduce_sum3A_185[0, 0, 0] : f32 from vector<1x1x1xf32>
    %sub3A_187 = arith.subf %add3A_21, %get3A_11 : vector<512xf32>
    %jit3A_188 = arith.constant 0.000000e+00 : f32
    %broadcast_in_dim3A_189 = vector.broadcast %jit3A_188 : f32 to vector<512xf32>
    %select_n3A_190 = arith.select %le3A_134, %sub3A_187, %broadcast_in_dim3A_189 : vector<512xi1>, vector<512xf32>
    %reduce_sum3A_191 = vector.shape_cast %select_n3A_190 : vector<512xf32> to vector<1x512xf32>
    %reduce_sum3A_192 = arith.constant dense<0.000000e+00> : vector<1xf32>
    %reduce_sum3A_193 = vector.multi_reduction <add>, %reduce_sum3A_191, %reduce_sum3A_192 [1] : vector<1x512xf32> to vector<1xf32>
    %reduce_sum3A_194 = vector.shape_cast %reduce_sum3A_193 : vector<1xf32> to vector<1x1xf32>
    %reduce_sum3A_195 = vector.extract %reduce_sum3A_194[0, 0] : f32 from vector<1x1xf32>
    %add3A_196 = arith.addf %reduce_sum3A_186, %reduce_sum3A_195 : f32
    %jit3A_197 = arith.constant 0.000000e+00 : f32
    %broadcast_in_dim3A_198 = vector.broadcast %jit3A_197 : f32 to vector<512xf32>
    %select_n3A_199 = arith.select %ge3A_131, %add3A_21, %broadcast_in_dim3A_198 : vector<512xi1>, vector<512xf32>
    %reduce_sum3A_200 = vector.shape_cast %select_n3A_199 : vector<512xf32> to vector<1x512xf32>
    %reduce_sum3A_201 = arith.constant dense<0.000000e+00> : vector<1xf32>
    %reduce_sum3A_202 = vector.multi_reduction <add>, %reduce_sum3A_200, %reduce_sum3A_201 [1] : vector<1x512xf32> to vector<1xf32>
    %reduce_sum3A_203 = vector.shape_cast %reduce_sum3A_202 : vector<1xf32> to vector<1x1xf32>
    %reduce_sum3A_204 = vector.extract %reduce_sum3A_203[0, 0] : f32 from vector<1x1xf32>
    %sub3A_205 = arith.subf %add3A_196, %reduce_sum3A_204 : f32
    %add3A_206 = arith.addf %get3A_176, %sub3A_205 : f32
    %swap3A_207 = arith.constant 1 : index
    %swap3A_208 = arith.constant 2 : index
    %swap3A_209 = memref.load %arg4[%swap3A_207, %swap3A_208] : memref<2x10xf32, #tpu.memory_space<smem>>
    memref.store %add3A_206, %arg4[%swap3A_207, %swap3A_208] : memref<2x10xf32, #tpu.memory_space<smem>>
    %ge3A_210 = arith.constant -0.847297787 : f32
    %ge3A_211 = vector.broadcast %ge3A_210 : f32 to vector<512x1000xf32>
    %ge3A_212 = arith.cmpf oge, %get3A_3, %ge3A_211 : vector<512x1000xf32>
    %ge3A_213 = arith.constant -0.847297787 : f32
    %ge3A_214 = vector.broadcast %ge3A_213 : f32 to vector<512xf32>
    %ge3A_215 = arith.cmpf oge, %get3A_11, %ge3A_214 : vector<512xf32>
    %le3A_216 = arith.constant 0.847297787 : f32
    %le3A_217 = vector.broadcast %le3A_216 : f32 to vector<512xf32>
    %le3A_218 = arith.cmpf ole, %get3A_11, %le3A_217 : vector<512xf32>
    %get3A_219 = arith.constant 0 : index
    %get3A_220 = arith.constant 3 : index
    %get3A_221 = memref.load %arg4[%get3A_219, %get3A_220] : memref<2x10xf32, #tpu.memory_space<smem>>
    %convert_element_type3A_222 = arith.extui %ge3A_212 : vector<512x1000xi1> to vector<512x1000xi32>
    %convert_element_type3A_223 = arith.sitofp %convert_element_type3A_222 : vector<512x1000xi32> to vector<512x1000xf32>
    %convert_element_type3A_224 = arith.truncf %convert_element_type3A_223 : vector<512x1000xf32> to vector<512x1000xbf16>
    %dot_general3A_225 = arith.constant dense<0.000000e+00> : vector<8x1000xf32>
    %dot_general3A_226 = tpu.matmul %broadcast_in_dim3A_9, %convert_element_type3A_224, %dot_general3A_225 {dimension_numbers = #tpu.dot_dimension_numbers<[1], [0], [0], [1], [0, 0, 1, 1], [], []>, transpose_lhs_hint = false} : vector<8x512xbf16>, vector<512x1000xbf16>, vector<8x1000xf32> -> vector<8x1000xf32>
    %reduce_sum3A_227 = vector.shape_cast %dot_general3A_226 : vector<8x1000xf32> to vector<1x8x1000xf32>
    %reduce_sum3A_228 = arith.constant dense<0.000000e+00> : vector<1xf32>
    %reduce_sum3A_229 = vector.multi_reduction <add>, %reduce_sum3A_227, %reduce_sum3A_228 [1, 2] : vector<1x8x1000xf32> to vector<1xf32>
    %reduce_sum3A_230 = vector.shape_cast %reduce_sum3A_229 : vector<1xf32> to vector<1x1x1xf32>
    %reduce_sum3A_231 = vector.extract %reduce_sum3A_230[0, 0, 0] : f32 from vector<1x1x1xf32>
    %jit3A_232 = arith.constant 1.000000e+00 : f32
    %jit3A_233 = arith.constant 0.000000e+00 : f32
    %broadcast_in_dim3A_234 = vector.broadcast %jit3A_232 : f32 to vector<512xf32>
    %broadcast_in_dim3A_235 = vector.broadcast %jit3A_233 : f32 to vector<512xf32>
    %select_n3A_236 = arith.select %le3A_218, %broadcast_in_dim3A_234, %broadcast_in_dim3A_235 : vector<512xi1>, vector<512xf32>
    %reduce_sum3A_237 = vector.shape_cast %select_n3A_236 : vector<512xf32> to vector<1x512xf32>
    %reduce_sum3A_238 = arith.constant dense<0.000000e+00> : vector<1xf32>
    %reduce_sum3A_239 = vector.multi_reduction <add>, %reduce_sum3A_237, %reduce_sum3A_238 [1] : vector<1x512xf32> to vector<1xf32>
    %reduce_sum3A_240 = vector.shape_cast %reduce_sum3A_239 : vector<1xf32> to vector<1x1xf32>
    %reduce_sum3A_241 = vector.extract %reduce_sum3A_240[0, 0] : f32 from vector<1x1xf32>
    %add3A_242 = arith.addf %reduce_sum3A_231, %reduce_sum3A_241 : f32
    %jit3A_243 = arith.constant 1.000000e+00 : f32
    %jit3A_244 = arith.constant 0.000000e+00 : f32
    %broadcast_in_dim3A_245 = vector.broadcast %jit3A_243 : f32 to vector<512xf32>
    %broadcast_in_dim3A_246 = vector.broadcast %jit3A_244 : f32 to vector<512xf32>
    %select_n3A_247 = arith.select %ge3A_215, %broadcast_in_dim3A_245, %broadcast_in_dim3A_246 : vector<512xi1>, vector<512xf32>
    %reduce_sum3A_248 = vector.shape_cast %select_n3A_247 : vector<512xf32> to vector<1x512xf32>
    %reduce_sum3A_249 = arith.constant dense<0.000000e+00> : vector<1xf32>
    %reduce_sum3A_250 = vector.multi_reduction <add>, %reduce_sum3A_248, %reduce_sum3A_249 [1] : vector<1x512xf32> to vector<1xf32>
    %reduce_sum3A_251 = vector.shape_cast %reduce_sum3A_250 : vector<1xf32> to vector<1x1xf32>
    %reduce_sum3A_252 = vector.extract %reduce_sum3A_251[0, 0] : f32 from vector<1x1xf32>
    %sub3A_253 = arith.subf %add3A_242, %reduce_sum3A_252 : f32
    %add3A_254 = arith.addf %get3A_221, %sub3A_253 : f32
    %swap3A_255 = arith.constant 0 : index
    %swap3A_256 = arith.constant 3 : index
    %swap3A_257 = memref.load %arg4[%swap3A_255, %swap3A_256] : memref<2x10xf32, #tpu.memory_space<smem>>
    memref.store %add3A_254, %arg4[%swap3A_255, %swap3A_256] : memref<2x10xf32, #tpu.memory_space<smem>>
    %get3A_258 = arith.constant 1 : index
    %get3A_259 = arith.constant 3 : index
    %get3A_260 = memref.load %arg4[%get3A_258, %get3A_259] : memref<2x10xf32, #tpu.memory_space<smem>>
    %jit3A_261 = arith.constant 0.000000e+00 : bf16
    %broadcast_in_dim3A_262 = vector.broadcast %jit3A_261 : bf16 to vector<512x1000xbf16>
    %select_n3A_263 = arith.select %ge3A_212, %convert_element_type3A_8, %broadcast_in_dim3A_262 : vector<512x1000xi1>, vector<512x1000xbf16>
    %dot_general3A_264 = arith.constant dense<0.000000e+00> : vector<8x1000xf32>
    %dot_general3A_265 = tpu.matmul %broadcast_in_dim3A_9, %select_n3A_263, %dot_general3A_264 {dimension_numbers = #tpu.dot_dimension_numbers<[1], [0], [0], [1], [0, 0, 1, 1], [], []>, transpose_lhs_hint = false} : vector<8x512xbf16>, vector<512x1000xbf16>, vector<8x1000xf32> -> vector<8x1000xf32>
    %reduce_sum3A_266 = vector.shape_cast %dot_general3A_265 : vector<8x1000xf32> to vector<1x8x1000xf32>
    %reduce_sum3A_267 = arith.constant dense<0.000000e+00> : vector<1xf32>
    %reduce_sum3A_268 = vector.multi_reduction <add>, %reduce_sum3A_266, %reduce_sum3A_267 [1, 2] : vector<1x8x1000xf32> to vector<1xf32>
    %reduce_sum3A_269 = vector.shape_cast %reduce_sum3A_268 : vector<1xf32> to vector<1x1x1xf32>
    %reduce_sum3A_270 = vector.extract %reduce_sum3A_269[0, 0, 0] : f32 from vector<1x1x1xf32>
    %sub3A_271 = arith.subf %add3A_21, %get3A_11 : vector<512xf32>
    %jit3A_272 = arith.constant 0.000000e+00 : f32
    %broadcast_in_dim3A_273 = vector.broadcast %jit3A_272 : f32 to vector<512xf32>
    %select_n3A_274 = arith.select %le3A_218, %sub3A_271, %broadcast_in_dim3A_273 : vector<512xi1>, vector<512xf32>
    %reduce_sum3A_275 = vector.shape_cast %select_n3A_274 : vector<512xf32> to vector<1x512xf32>
    %reduce_sum3A_276 = arith.constant dense<0.000000e+00> : vector<1xf32>
    %reduce_sum3A_277 = vector.multi_reduction <add>, %reduce_sum3A_275, %reduce_sum3A_276 [1] : vector<1x512xf32> to vector<1xf32>
    %reduce_sum3A_278 = vector.shape_cast %reduce_sum3A_277 : vector<1xf32> to vector<1x1xf32>
    %reduce_sum3A_279 = vector.extract %reduce_sum3A_278[0, 0] : f32 from vector<1x1xf32>
    %add3A_280 = arith.addf %reduce_sum3A_270, %reduce_sum3A_279 : f32
    %jit3A_281 = arith.constant 0.000000e+00 : f32
    %broadcast_in_dim3A_282 = vector.broadcast %jit3A_281 : f32 to vector<512xf32>
    %select_n3A_283 = arith.select %ge3A_215, %add3A_21, %broadcast_in_dim3A_282 : vector<512xi1>, vector<512xf32>
    %reduce_sum3A_284 = vector.shape_cast %select_n3A_283 : vector<512xf32> to vector<1x512xf32>
    %reduce_sum3A_285 = arith.constant dense<0.000000e+00> : vector<1xf32>
    %reduce_sum3A_286 = vector.multi_reduction <add>, %reduce_sum3A_284, %reduce_sum3A_285 [1] : vector<1x512xf32> to vector<1xf32>
    %reduce_sum3A_287 = vector.shape_cast %reduce_sum3A_286 : vector<1xf32> to vector<1x1xf32>
    %reduce_sum3A_288 = vector.extract %reduce_sum3A_287[0, 0] : f32 from vector<1x1xf32>
    %sub3A_289 = arith.subf %add3A_280, %reduce_sum3A_288 : f32
    %add3A_290 = arith.addf %get3A_260, %sub3A_289 : f32
    %swap3A_291 = arith.constant 1 : index
    %swap3A_292 = arith.constant 3 : index
    %swap3A_293 = memref.load %arg4[%swap3A_291, %swap3A_292] : memref<2x10xf32, #tpu.memory_space<smem>>
    memref.store %add3A_290, %arg4[%swap3A_291, %swap3A_292] : memref<2x10xf32, #tpu.memory_space<smem>>
    %ge3A_294 = arith.constant -0.405465096 : f32
    %ge3A_295 = vector.broadcast %ge3A_294 : f32 to vector<512x1000xf32>
    %ge3A_296 = arith.cmpf oge, %get3A_3, %ge3A_295 : vector<512x1000xf32>
    %ge3A_297 = arith.constant -0.405465096 : f32
    %ge3A_298 = vector.broadcast %ge3A_297 : f32 to vector<512xf32>
    %ge3A_299 = arith.cmpf oge, %get3A_11, %ge3A_298 : vector<512xf32>
    %le3A_300 = arith.constant 0.405465096 : f32
    %le3A_301 = vector.broadcast %le3A_300 : f32 to vector<512xf32>
    %le3A_302 = arith.cmpf ole, %get3A_11, %le3A_301 : vector<512xf32>
    %get3A_303 = arith.constant 0 : index
    %get3A_304 = arith.constant 4 : index
    %get3A_305 = memref.load %arg4[%get3A_303, %get3A_304] : memref<2x10xf32, #tpu.memory_space<smem>>
    %convert_element_type3A_306 = arith.extui %ge3A_296 : vector<512x1000xi1> to vector<512x1000xi32>
    %convert_element_type3A_307 = arith.sitofp %convert_element_type3A_306 : vector<512x1000xi32> to vector<512x1000xf32>
    %convert_element_type3A_308 = arith.truncf %convert_element_type3A_307 : vector<512x1000xf32> to vector<512x1000xbf16>
    %dot_general3A_309 = arith.constant dense<0.000000e+00> : vector<8x1000xf32>
    %dot_general3A_310 = tpu.matmul %broadcast_in_dim3A_9, %convert_element_type3A_308, %dot_general3A_309 {dimension_numbers = #tpu.dot_dimension_numbers<[1], [0], [0], [1], [0, 0, 1, 1], [], []>, transpose_lhs_hint = false} : vector<8x512xbf16>, vector<512x1000xbf16>, vector<8x1000xf32> -> vector<8x1000xf32>
    %reduce_sum3A_311 = vector.shape_cast %dot_general3A_310 : vector<8x1000xf32> to vector<1x8x1000xf32>
    %reduce_sum3A_312 = arith.constant dense<0.000000e+00> : vector<1xf32>
    %reduce_sum3A_313 = vector.multi_reduction <add>, %reduce_sum3A_311, %reduce_sum3A_312 [1, 2] : vector<1x8x1000xf32> to vector<1xf32>
    %reduce_sum3A_314 = vector.shape_cast %reduce_sum3A_313 : vector<1xf32> to vector<1x1x1xf32>
    %reduce_sum3A_315 = vector.extract %reduce_sum3A_314[0, 0, 0] : f32 from vector<1x1x1xf32>
    %jit3A_316 = arith.constant 1.000000e+00 : f32
    %jit3A_317 = arith.constant 0.000000e+00 : f32
    %broadcast_in_dim3A_318 = vector.broadcast %jit3A_316 : f32 to vector<512xf32>
    %broadcast_in_dim3A_319 = vector.broadcast %jit3A_317 : f32 to vector<512xf32>
    %select_n3A_320 = arith.select %le3A_302, %broadcast_in_dim3A_318, %broadcast_in_dim3A_319 : vector<512xi1>, vector<512xf32>
    %reduce_sum3A_321 = vector.shape_cast %select_n3A_320 : vector<512xf32> to vector<1x512xf32>
    %reduce_sum3A_322 = arith.constant dense<0.000000e+00> : vector<1xf32>
    %reduce_sum3A_323 = vector.multi_reduction <add>, %reduce_sum3A_321, %reduce_sum3A_322 [1] : vector<1x512xf32> to vector<1xf32>
    %reduce_sum3A_324 = vector.shape_cast %reduce_sum3A_323 : vector<1xf32> to vector<1x1xf32>
    %reduce_sum3A_325 = vector.extract %reduce_sum3A_324[0, 0] : f32 from vector<1x1xf32>
    %add3A_326 = arith.addf %reduce_sum3A_315, %reduce_sum3A_325 : f32
    %jit3A_327 = arith.constant 1.000000e+00 : f32
    %jit3A_328 = arith.constant 0.000000e+00 : f32
    %broadcast_in_dim3A_329 = vector.broadcast %jit3A_327 : f32 to vector<512xf32>
    %broadcast_in_dim3A_330 = vector.broadcast %jit3A_328 : f32 to vector<512xf32>
    %select_n3A_331 = arith.select %ge3A_299, %broadcast_in_dim3A_329, %broadcast_in_dim3A_330 : vector<512xi1>, vector<512xf32>
    %reduce_sum3A_332 = vector.shape_cast %select_n3A_331 : vector<512xf32> to vector<1x512xf32>
    %reduce_sum3A_333 = arith.constant dense<0.000000e+00> : vector<1xf32>
    %reduce_sum3A_334 = vector.multi_reduction <add>, %reduce_sum3A_332, %reduce_sum3A_333 [1] : vector<1x512xf32> to vector<1xf32>
    %reduce_sum3A_335 = vector.shape_cast %reduce_sum3A_334 : vector<1xf32> to vector<1x1xf32>
    %reduce_sum3A_336 = vector.extract %reduce_sum3A_335[0, 0] : f32 from vector<1x1xf32>
    %sub3A_337 = arith.subf %add3A_326, %reduce_sum3A_336 : f32
    %add3A_338 = arith.addf %get3A_305, %sub3A_337 : f32
    %swap3A_339 = arith.constant 0 : index
    %swap3A_340 = arith.constant 4 : index
    %swap3A_341 = memref.load %arg4[%swap3A_339, %swap3A_340] : memref<2x10xf32, #tpu.memory_space<smem>>
    memref.store %add3A_338, %arg4[%swap3A_339, %swap3A_340] : memref<2x10xf32, #tpu.memory_space<smem>>
    %get3A_342 = arith.constant 1 : index
    %get3A_343 = arith.constant 4 : index
    %get3A_344 = memref.load %arg4[%get3A_342, %get3A_343] : memref<2x10xf32, #tpu.memory_space<smem>>
    %jit3A_345 = arith.constant 0.000000e+00 : bf16
    %broadcast_in_dim3A_346 = vector.broadcast %jit3A_345 : bf16 to vector<512x1000xbf16>
    %select_n3A_347 = arith.select %ge3A_296, %convert_element_type3A_8, %broadcast_in_dim3A_346 : vector<512x1000xi1>, vector<512x1000xbf16>
    %dot_general3A_348 = arith.constant dense<0.000000e+00> : vector<8x1000xf32>
    %dot_general3A_349 = tpu.matmul %broadcast_in_dim3A_9, %select_n3A_347, %dot_general3A_348 {dimension_numbers = #tpu.dot_dimension_numbers<[1], [0], [0], [1], [0, 0, 1, 1], [], []>, transpose_lhs_hint = false} : vector<8x512xbf16>, vector<512x1000xbf16>, vector<8x1000xf32> -> vector<8x1000xf32>
    %reduce_sum3A_350 = vector.shape_cast %dot_general3A_349 : vector<8x1000xf32> to vector<1x8x1000xf32>
    %reduce_sum3A_351 = arith.constant dense<0.000000e+00> : vector<1xf32>
    %reduce_sum3A_352 = vector.multi_reduction <add>, %reduce_sum3A_350, %reduce_sum3A_351 [1, 2] : vector<1x8x1000xf32> to vector<1xf32>
    %reduce_sum3A_353 = vector.shape_cast %reduce_sum3A_352 : vector<1xf32> to vector<1x1x1xf32>
    %reduce_sum3A_354 = vector.extract %reduce_sum3A_353[0, 0, 0] : f32 from vector<1x1x1xf32>
    %sub3A_355 = arith.subf %add3A_21, %get3A_11 : vector<512xf32>
    %jit3A_356 = arith.constant 0.000000e+00 : f32
    %broadcast_in_dim3A_357 = vector.broadcast %jit3A_356 : f32 to vector<512xf32>
    %select_n3A_358 = arith.select %le3A_302, %sub3A_355, %broadcast_in_dim3A_357 : vector<512xi1>, vector<512xf32>
    %reduce_sum3A_359 = vector.shape_cast %select_n3A_358 : vector<512xf32> to vector<1x512xf32>
    %reduce_sum3A_360 = arith.constant dense<0.000000e+00> : vector<1xf32>
    %reduce_sum3A_361 = vector.multi_reduction <add>, %reduce_sum3A_359, %reduce_sum3A_360 [1] : vector<1x512xf32> to vector<1xf32>
    %reduce_sum3A_362 = vector.shape_cast %reduce_sum3A_361 : vector<1xf32> to vector<1x1xf32>
    %reduce_sum3A_363 = vector.extract %reduce_sum3A_362[0, 0] : f32 from vector<1x1xf32>
    %add3A_364 = arith.addf %reduce_sum3A_354, %reduce_sum3A_363 : f32
    %jit3A_365 = arith.constant 0.000000e+00 : f32
    %broadcast_in_dim3A_366 = vector.broadcast %jit3A_365 : f32 to vector<512xf32>
    %select_n3A_367 = arith.select %ge3A_299, %add3A_21, %broadcast_in_dim3A_366 : vector<512xi1>, vector<512xf32>
    %reduce_sum3A_368 = vector.shape_cast %select_n3A_367 : vector<512xf32> to vector<1x512xf32>
    %reduce_sum3A_369 = arith.constant dense<0.000000e+00> : vector<1xf32>
    %reduce_sum3A_370 = vector.multi_reduction <add>, %reduce_sum3A_368, %reduce_sum3A_369 [1] : vector<1x512xf32> to vector<1xf32>
    %reduce_sum3A_371 = vector.shape_cast %reduce_sum3A_370 : vector<1xf32> to vector<1x1xf32>
    %reduce_sum3A_372 = vector.extract %reduce_sum3A_371[0, 0] : f32 from vector<1x1xf32>
    %sub3A_373 = arith.subf %add3A_364, %reduce_sum3A_372 : f32
    %add3A_374 = arith.addf %get3A_344, %sub3A_373 : f32
    %swap3A_375 = arith.constant 1 : index
    %swap3A_376 = arith.constant 4 : index
    %swap3A_377 = memref.load %arg4[%swap3A_375, %swap3A_376] : memref<2x10xf32, #tpu.memory_space<smem>>
    memref.store %add3A_374, %arg4[%swap3A_375, %swap3A_376] : memref<2x10xf32, #tpu.memory_space<smem>>
    %ge3A_378 = arith.constant 0.000000e+00 : f32
    %ge3A_379 = vector.broadcast %ge3A_378 : f32 to vector<512x1000xf32>
    %ge3A_380 = arith.cmpf oge, %get3A_3, %ge3A_379 : vector<512x1000xf32>
    %ge3A_381 = arith.constant 0.000000e+00 : f32
    %ge3A_382 = vector.broadcast %ge3A_381 : f32 to vector<512xf32>
    %ge3A_383 = arith.cmpf oge, %get3A_11, %ge3A_382 : vector<512xf32>
    %le3A_384 = arith.constant -0.000000e+00 : f32
    %le3A_385 = vector.broadcast %le3A_384 : f32 to vector<512xf32>
    %le3A_386 = arith.cmpf ole, %get3A_11, %le3A_385 : vector<512xf32>
    %get3A_387 = arith.constant 0 : index
    %get3A_388 = arith.constant 5 : index
    %get3A_389 = memref.load %arg4[%get3A_387, %get3A_388] : memref<2x10xf32, #tpu.memory_space<smem>>
    %convert_element_type3A_390 = arith.extui %ge3A_380 : vector<512x1000xi1> to vector<512x1000xi32>
    %convert_element_type3A_391 = arith.sitofp %convert_element_type3A_390 : vector<512x1000xi32> to vector<512x1000xf32>
    %convert_element_type3A_392 = arith.truncf %convert_element_type3A_391 : vector<512x1000xf32> to vector<512x1000xbf16>
    %dot_general3A_393 = arith.constant dense<0.000000e+00> : vector<8x1000xf32>
    %dot_general3A_394 = tpu.matmul %broadcast_in_dim3A_9, %convert_element_type3A_392, %dot_general3A_393 {dimension_numbers = #tpu.dot_dimension_numbers<[1], [0], [0], [1], [0, 0, 1, 1], [], []>, transpose_lhs_hint = false} : vector<8x512xbf16>, vector<512x1000xbf16>, vector<8x1000xf32> -> vector<8x1000xf32>
    %reduce_sum3A_395 = vector.shape_cast %dot_general3A_394 : vector<8x1000xf32> to vector<1x8x1000xf32>
    %reduce_sum3A_396 = arith.constant dense<0.000000e+00> : vector<1xf32>
    %reduce_sum3A_397 = vector.multi_reduction <add>, %reduce_sum3A_395, %reduce_sum3A_396 [1, 2] : vector<1x8x1000xf32> to vector<1xf32>
    %reduce_sum3A_398 = vector.shape_cast %reduce_sum3A_397 : vector<1xf32> to vector<1x1x1xf32>
    %reduce_sum3A_399 = vector.extract %reduce_sum3A_398[0, 0, 0] : f32 from vector<1x1x1xf32>
    %jit3A_400 = arith.constant 1.000000e+00 : f32
    %jit3A_401 = arith.constant 0.000000e+00 : f32
    %broadcast_in_dim3A_402 = vector.broadcast %jit3A_400 : f32 to vector<512xf32>
    %broadcast_in_dim3A_403 = vector.broadcast %jit3A_401 : f32 to vector<512xf32>
    %select_n3A_404 = arith.select %le3A_386, %broadcast_in_dim3A_402, %broadcast_in_dim3A_403 : vector<512xi1>, vector<512xf32>
    %reduce_sum3A_405 = vector.shape_cast %select_n3A_404 : vector<512xf32> to vector<1x512xf32>
    %reduce_sum3A_406 = arith.constant dense<0.000000e+00> : vector<1xf32>
    %reduce_sum3A_407 = vector.multi_reduction <add>, %reduce_sum3A_405, %reduce_sum3A_406 [1] : vector<1x512xf32> to vector<1xf32>
    %reduce_sum3A_408 = vector.shape_cast %reduce_sum3A_407 : vector<1xf32> to vector<1x1xf32>
    %reduce_sum3A_409 = vector.extract %reduce_sum3A_408[0, 0] : f32 from vector<1x1xf32>
    %add3A_410 = arith.addf %reduce_sum3A_399, %reduce_sum3A_409 : f32
    %jit3A_411 = arith.constant 1.000000e+00 : f32
    %jit3A_412 = arith.constant 0.000000e+00 : f32
    %broadcast_in_dim3A_413 = vector.broadcast %jit3A_411 : f32 to vector<512xf32>
    %broadcast_in_dim3A_414 = vector.broadcast %jit3A_412 : f32 to vector<512xf32>
    %select_n3A_415 = arith.select %ge3A_383, %broadcast_in_dim3A_413, %broadcast_in_dim3A_414 : vector<512xi1>, vector<512xf32>
    %reduce_sum3A_416 = vector.shape_cast %select_n3A_415 : vector<512xf32> to vector<1x512xf32>
    %reduce_sum3A_417 = arith.constant dense<0.000000e+00> : vector<1xf32>
    %reduce_sum3A_418 = vector.multi_reduction <add>, %reduce_sum3A_416, %reduce_sum3A_417 [1] : vector<1x512xf32> to vector<1xf32>
    %reduce_sum3A_419 = vector.shape_cast %reduce_sum3A_418 : vector<1xf32> to vector<1x1xf32>
    %reduce_sum3A_420 = vector.extract %reduce_sum3A_419[0, 0] : f32 from vector<1x1xf32>
    %sub3A_421 = arith.subf %add3A_410, %reduce_sum3A_420 : f32
    %add3A_422 = arith.addf %get3A_389, %sub3A_421 : f32
    %swap3A_423 = arith.constant 0 : index
    %swap3A_424 = arith.constant 5 : index
    %swap3A_425 = memref.load %arg4[%swap3A_423, %swap3A_424] : memref<2x10xf32, #tpu.memory_space<smem>>
    memref.store %add3A_422, %arg4[%swap3A_423, %swap3A_424] : memref<2x10xf32, #tpu.memory_space<smem>>
    %get3A_426 = arith.constant 1 : index
    %get3A_427 = arith.constant 5 : index
    %get3A_428 = memref.load %arg4[%get3A_426, %get3A_427] : memref<2x10xf32, #tpu.memory_space<smem>>
    %jit3A_429 = arith.constant 0.000000e+00 : bf16
    %broadcast_in_dim3A_430 = vector.broadcast %jit3A_429 : bf16 to vector<512x1000xbf16>
    %select_n3A_431 = arith.select %ge3A_380, %convert_element_type3A_8, %broadcast_in_dim3A_430 : vector<512x1000xi1>, vector<512x1000xbf16>
    %dot_general3A_432 = arith.constant dense<0.000000e+00> : vector<8x1000xf32>
    %dot_general3A_433 = tpu.matmul %broadcast_in_dim3A_9, %select_n3A_431, %dot_general3A_432 {dimension_numbers = #tpu.dot_dimension_numbers<[1], [0], [0], [1], [0, 0, 1, 1], [], []>, transpose_lhs_hint = false} : vector<8x512xbf16>, vector<512x1000xbf16>, vector<8x1000xf32> -> vector<8x1000xf32>
    %reduce_sum3A_434 = vector.shape_cast %dot_general3A_433 : vector<8x1000xf32> to vector<1x8x1000xf32>
    %reduce_sum3A_435 = arith.constant dense<0.000000e+00> : vector<1xf32>
    %reduce_sum3A_436 = vector.multi_reduction <add>, %reduce_sum3A_434, %reduce_sum3A_435 [1, 2] : vector<1x8x1000xf32> to vector<1xf32>
    %reduce_sum3A_437 = vector.shape_cast %reduce_sum3A_436 : vector<1xf32> to vector<1x1x1xf32>
    %reduce_sum3A_438 = vector.extract %reduce_sum3A_437[0, 0, 0] : f32 from vector<1x1x1xf32>
    %sub3A_439 = arith.subf %add3A_21, %get3A_11 : vector<512xf32>
    %jit3A_440 = arith.constant 0.000000e+00 : f32
    %broadcast_in_dim3A_441 = vector.broadcast %jit3A_440 : f32 to vector<512xf32>
    %select_n3A_442 = arith.select %le3A_386, %sub3A_439, %broadcast_in_dim3A_441 : vector<512xi1>, vector<512xf32>
    %reduce_sum3A_443 = vector.shape_cast %select_n3A_442 : vector<512xf32> to vector<1x512xf32>
    %reduce_sum3A_444 = arith.constant dense<0.000000e+00> : vector<1xf32>
    %reduce_sum3A_445 = vector.multi_reduction <add>, %reduce_sum3A_443, %reduce_sum3A_444 [1] : vector<1x512xf32> to vector<1xf32>
    %reduce_sum3A_446 = vector.shape_cast %reduce_sum3A_445 : vector<1xf32> to vector<1x1xf32>
    %reduce_sum3A_447 = vector.extract %reduce_sum3A_446[0, 0] : f32 from vector<1x1xf32>
    %add3A_448 = arith.addf %reduce_sum3A_438, %reduce_sum3A_447 : f32
    %jit3A_449 = arith.constant 0.000000e+00 : f32
    %broadcast_in_dim3A_450 = vector.broadcast %jit3A_449 : f32 to vector<512xf32>
    %select_n3A_451 = arith.select %ge3A_383, %add3A_21, %broadcast_in_dim3A_450 : vector<512xi1>, vector<512xf32>
    %reduce_sum3A_452 = vector.shape_cast %select_n3A_451 : vector<512xf32> to vector<1x512xf32>
    %reduce_sum3A_453 = arith.constant dense<0.000000e+00> : vector<1xf32>
    %reduce_sum3A_454 = vector.multi_reduction <add>, %reduce_sum3A_452, %reduce_sum3A_453 [1] : vector<1x512xf32> to vector<1xf32>
    %reduce_sum3A_455 = vector.shape_cast %reduce_sum3A_454 : vector<1xf32> to vector<1x1xf32>
    %reduce_sum3A_456 = vector.extract %reduce_sum3A_455[0, 0] : f32 from vector<1x1xf32>
    %sub3A_457 = arith.subf %add3A_448, %reduce_sum3A_456 : f32
    %add3A_458 = arith.addf %get3A_428, %sub3A_457 : f32
    %swap3A_459 = arith.constant 1 : index
    %swap3A_460 = arith.constant 5 : index
    %swap3A_461 = memref.load %arg4[%swap3A_459, %swap3A_460] : memref<2x10xf32, #tpu.memory_space<smem>>
    memref.store %add3A_458, %arg4[%swap3A_459, %swap3A_460] : memref<2x10xf32, #tpu.memory_space<smem>>
    %ge3A_462 = arith.constant 0.405465215 : f32
    %ge3A_463 = vector.broadcast %ge3A_462 : f32 to vector<512x1000xf32>
    %ge3A_464 = arith.cmpf oge, %get3A_3, %ge3A_463 : vector<512x1000xf32>
    %ge3A_465 = arith.constant 0.405465215 : f32
    %ge3A_466 = vector.broadcast %ge3A_465 : f32 to vector<512xf32>
    %ge3A_467 = arith.cmpf oge, %get3A_11, %ge3A_466 : vector<512xf32>
    %le3A_468 = arith.constant -0.405465215 : f32
    %le3A_469 = vector.broadcast %le3A_468 : f32 to vector<512xf32>
    %le3A_470 = arith.cmpf ole, %get3A_11, %le3A_469 : vector<512xf32>
    %get3A_471 = arith.constant 0 : index
    %get3A_472 = arith.constant 6 : index
    %get3A_473 = memref.load %arg4[%get3A_471, %get3A_472] : memref<2x10xf32, #tpu.memory_space<smem>>
    %convert_element_type3A_474 = arith.extui %ge3A_464 : vector<512x1000xi1> to vector<512x1000xi32>
    %convert_element_type3A_475 = arith.sitofp %convert_element_type3A_474 : vector<512x1000xi32> to vector<512x1000xf32>
    %convert_element_type3A_476 = arith.truncf %convert_element_type3A_475 : vector<512x1000xf32> to vector<512x1000xbf16>
    %dot_general3A_477 = arith.constant dense<0.000000e+00> : vector<8x1000xf32>
    %dot_general3A_478 = tpu.matmul %broadcast_in_dim3A_9, %convert_element_type3A_476, %dot_general3A_477 {dimension_numbers = #tpu.dot_dimension_numbers<[1], [0], [0], [1], [0, 0, 1, 1], [], []>, transpose_lhs_hint = false} : vector<8x512xbf16>, vector<512x1000xbf16>, vector<8x1000xf32> -> vector<8x1000xf32>
    %reduce_sum3A_479 = vector.shape_cast %dot_general3A_478 : vector<8x1000xf32> to vector<1x8x1000xf32>
    %reduce_sum3A_480 = arith.constant dense<0.000000e+00> : vector<1xf32>
    %reduce_sum3A_481 = vector.multi_reduction <add>, %reduce_sum3A_479, %reduce_sum3A_480 [1, 2] : vector<1x8x1000xf32> to vector<1xf32>
    %reduce_sum3A_482 = vector.shape_cast %reduce_sum3A_481 : vector<1xf32> to vector<1x1x1xf32>
    %reduce_sum3A_483 = vector.extract %reduce_sum3A_482[0, 0, 0] : f32 from vector<1x1x1xf32>
    %jit3A_484 = arith.constant 1.000000e+00 : f32
    %jit3A_485 = arith.constant 0.000000e+00 : f32
    %broadcast_in_dim3A_486 = vector.broadcast %jit3A_484 : f32 to vector<512xf32>
    %broadcast_in_dim3A_487 = vector.broadcast %jit3A_485 : f32 to vector<512xf32>
    %select_n3A_488 = arith.select %le3A_470, %broadcast_in_dim3A_486, %broadcast_in_dim3A_487 : vector<512xi1>, vector<512xf32>
    %reduce_sum3A_489 = vector.shape_cast %select_n3A_488 : vector<512xf32> to vector<1x512xf32>
    %reduce_sum3A_490 = arith.constant dense<0.000000e+00> : vector<1xf32>
    %reduce_sum3A_491 = vector.multi_reduction <add>, %reduce_sum3A_489, %reduce_sum3A_490 [1] : vector<1x512xf32> to vector<1xf32>
    %reduce_sum3A_492 = vector.shape_cast %reduce_sum3A_491 : vector<1xf32> to vector<1x1xf32>
    %reduce_sum3A_493 = vector.extract %reduce_sum3A_492[0, 0] : f32 from vector<1x1xf32>
    %add3A_494 = arith.addf %reduce_sum3A_483, %reduce_sum3A_493 : f32
    %jit3A_495 = arith.constant 1.000000e+00 : f32
    %jit3A_496 = arith.constant 0.000000e+00 : f32
    %broadcast_in_dim3A_497 = vector.broadcast %jit3A_495 : f32 to vector<512xf32>
    %broadcast_in_dim3A_498 = vector.broadcast %jit3A_496 : f32 to vector<512xf32>
    %select_n3A_499 = arith.select %ge3A_467, %broadcast_in_dim3A_497, %broadcast_in_dim3A_498 : vector<512xi1>, vector<512xf32>
    %reduce_sum3A_500 = vector.shape_cast %select_n3A_499 : vector<512xf32> to vector<1x512xf32>
    %reduce_sum3A_501 = arith.constant dense<0.000000e+00> : vector<1xf32>
    %reduce_sum3A_502 = vector.multi_reduction <add>, %reduce_sum3A_500, %reduce_sum3A_501 [1] : vector<1x512xf32> to vector<1xf32>
    %reduce_sum3A_503 = vector.shape_cast %reduce_sum3A_502 : vector<1xf32> to vector<1x1xf32>
    %reduce_sum3A_504 = vector.extract %reduce_sum3A_503[0, 0] : f32 from vector<1x1xf32>
    %sub3A_505 = arith.subf %add3A_494, %reduce_sum3A_504 : f32
    %add3A_506 = arith.addf %get3A_473, %sub3A_505 : f32
    %swap3A_507 = arith.constant 0 : index
    %swap3A_508 = arith.constant 6 : index
    %swap3A_509 = memref.load %arg4[%swap3A_507, %swap3A_508] : memref<2x10xf32, #tpu.memory_space<smem>>
    memref.store %add3A_506, %arg4[%swap3A_507, %swap3A_508] : memref<2x10xf32, #tpu.memory_space<smem>>
    %get3A_510 = arith.constant 1 : index
    %get3A_511 = arith.constant 6 : index
    %get3A_512 = memref.load %arg4[%get3A_510, %get3A_511] : memref<2x10xf32, #tpu.memory_space<smem>>
    %jit3A_513 = arith.constant 0.000000e+00 : bf16
    %broadcast_in_dim3A_514 = vector.broadcast %jit3A_513 : bf16 to vector<512x1000xbf16>
    %select_n3A_515 = arith.select %ge3A_464, %convert_element_type3A_8, %broadcast_in_dim3A_514 : vector<512x1000xi1>, vector<512x1000xbf16>
    %dot_general3A_516 = arith.constant dense<0.000000e+00> : vector<8x1000xf32>
    %dot_general3A_517 = tpu.matmul %broadcast_in_dim3A_9, %select_n3A_515, %dot_general3A_516 {dimension_numbers = #tpu.dot_dimension_numbers<[1], [0], [0], [1], [0, 0, 1, 1], [], []>, transpose_lhs_hint = false} : vector<8x512xbf16>, vector<512x1000xbf16>, vector<8x1000xf32> -> vector<8x1000xf32>
    %reduce_sum3A_518 = vector.shape_cast %dot_general3A_517 : vector<8x1000xf32> to vector<1x8x1000xf32>
    %reduce_sum3A_519 = arith.constant dense<0.000000e+00> : vector<1xf32>
    %reduce_sum3A_520 = vector.multi_reduction <add>, %reduce_sum3A_518, %reduce_sum3A_519 [1, 2] : vector<1x8x1000xf32> to vector<1xf32>
    %reduce_sum3A_521 = vector.shape_cast %reduce_sum3A_520 : vector<1xf32> to vector<1x1x1xf32>
    %reduce_sum3A_522 = vector.extract %reduce_sum3A_521[0, 0, 0] : f32 from vector<1x1x1xf32>
    %sub3A_523 = arith.subf %add3A_21, %get3A_11 : vector<512xf32>
    %jit3A_524 = arith.constant 0.000000e+00 : f32
    %broadcast_in_dim3A_525 = vector.broadcast %jit3A_524 : f32 to vector<512xf32>
    %select_n3A_526 = arith.select %le3A_470, %sub3A_523, %broadcast_in_dim3A_525 : vector<512xi1>, vector<512xf32>
    %reduce_sum3A_527 = vector.shape_cast %select_n3A_526 : vector<512xf32> to vector<1x512xf32>
    %reduce_sum3A_528 = arith.constant dense<0.000000e+00> : vector<1xf32>
    %reduce_sum3A_529 = vector.multi_reduction <add>, %reduce_sum3A_527, %reduce_sum3A_528 [1] : vector<1x512xf32> to vector<1xf32>
    %reduce_sum3A_530 = vector.shape_cast %reduce_sum3A_529 : vector<1xf32> to vector<1x1xf32>
    %reduce_sum3A_531 = vector.extract %reduce_sum3A_530[0, 0] : f32 from vector<1x1xf32>
    %add3A_532 = arith.addf %reduce_sum3A_522, %reduce_sum3A_531 : f32
    %jit3A_533 = arith.constant 0.000000e+00 : f32
    %broadcast_in_dim3A_534 = vector.broadcast %jit3A_533 : f32 to vector<512xf32>
    %select_n3A_535 = arith.select %ge3A_467, %add3A_21, %broadcast_in_dim3A_534 : vector<512xi1>, vector<512xf32>
    %reduce_sum3A_536 = vector.shape_cast %select_n3A_535 : vector<512xf32> to vector<1x512xf32>
    %reduce_sum3A_537 = arith.constant dense<0.000000e+00> : vector<1xf32>
    %reduce_sum3A_538 = vector.multi_reduction <add>, %reduce_sum3A_536, %reduce_sum3A_537 [1] : vector<1x512xf32> to vector<1xf32>
    %reduce_sum3A_539 = vector.shape_cast %reduce_sum3A_538 : vector<1xf32> to vector<1x1xf32>
    %reduce_sum3A_540 = vector.extract %reduce_sum3A_539[0, 0] : f32 from vector<1x1xf32>
    %sub3A_541 = arith.subf %add3A_532, %reduce_sum3A_540 : f32
    %add3A_542 = arith.addf %get3A_512, %sub3A_541 : f32
    %swap3A_543 = arith.constant 1 : index
    %swap3A_544 = arith.constant 6 : index
    %swap3A_545 = memref.load %arg4[%swap3A_543, %swap3A_544] : memref<2x10xf32, #tpu.memory_space<smem>>
    memref.store %add3A_542, %arg4[%swap3A_543, %swap3A_544] : memref<2x10xf32, #tpu.memory_space<smem>>
    %ge3A_546 = arith.constant 0.847297787 : f32
    %ge3A_547 = vector.broadcast %ge3A_546 : f32 to vector<512x1000xf32>
    %ge3A_548 = arith.cmpf oge, %get3A_3, %ge3A_547 : vector<512x1000xf32>
    %ge3A_549 = arith.constant 0.847297787 : f32
    %ge3A_550 = vector.broadcast %ge3A_549 : f32 to vector<512xf32>
    %ge3A_551 = arith.cmpf oge, %get3A_11, %ge3A_550 : vector<512xf32>
    %le3A_552 = arith.constant -0.847297787 : f32
    %le3A_553 = vector.broadcast %le3A_552 : f32 to vector<512xf32>
    %le3A_554 = arith.cmpf ole, %get3A_11, %le3A_553 : vector<512xf32>
    %get3A_555 = arith.constant 0 : index
    %get3A_556 = arith.constant 7 : index
    %get3A_557 = memref.load %arg4[%get3A_555, %get3A_556] : memref<2x10xf32, #tpu.memory_space<smem>>
    %convert_element_type3A_558 = arith.extui %ge3A_548 : vector<512x1000xi1> to vector<512x1000xi32>
    %convert_element_type3A_559 = arith.sitofp %convert_element_type3A_558 : vector<512x1000xi32> to vector<512x1000xf32>
    %convert_element_type3A_560 = arith.truncf %convert_element_type3A_559 : vector<512x1000xf32> to vector<512x1000xbf16>
    %dot_general3A_561 = arith.constant dense<0.000000e+00> : vector<8x1000xf32>
    %dot_general3A_562 = tpu.matmul %broadcast_in_dim3A_9, %convert_element_type3A_560, %dot_general3A_561 {dimension_numbers = #tpu.dot_dimension_numbers<[1], [0], [0], [1], [0, 0, 1, 1], [], []>, transpose_lhs_hint = false} : vector<8x512xbf16>, vector<512x1000xbf16>, vector<8x1000xf32> -> vector<8x1000xf32>
    %reduce_sum3A_563 = vector.shape_cast %dot_general3A_562 : vector<8x1000xf32> to vector<1x8x1000xf32>
    %reduce_sum3A_564 = arith.constant dense<0.000000e+00> : vector<1xf32>
    %reduce_sum3A_565 = vector.multi_reduction <add>, %reduce_sum3A_563, %reduce_sum3A_564 [1, 2] : vector<1x8x1000xf32> to vector<1xf32>
    %reduce_sum3A_566 = vector.shape_cast %reduce_sum3A_565 : vector<1xf32> to vector<1x1x1xf32>
    %reduce_sum3A_567 = vector.extract %reduce_sum3A_566[0, 0, 0] : f32 from vector<1x1x1xf32>
    %jit3A_568 = arith.constant 1.000000e+00 : f32
    %jit3A_569 = arith.constant 0.000000e+00 : f32
    %broadcast_in_dim3A_570 = vector.broadcast %jit3A_568 : f32 to vector<512xf32>
    %broadcast_in_dim3A_571 = vector.broadcast %jit3A_569 : f32 to vector<512xf32>
    %select_n3A_572 = arith.select %le3A_554, %broadcast_in_dim3A_570, %broadcast_in_dim3A_571 : vector<512xi1>, vector<512xf32>
    %reduce_sum3A_573 = vector.shape_cast %select_n3A_572 : vector<512xf32> to vector<1x512xf32>
    %reduce_sum3A_574 = arith.constant dense<0.000000e+00> : vector<1xf32>
    %reduce_sum3A_575 = vector.multi_reduction <add>, %reduce_sum3A_573, %reduce_sum3A_574 [1] : vector<1x512xf32> to vector<1xf32>
    %reduce_sum3A_576 = vector.shape_cast %reduce_sum3A_575 : vector<1xf32> to vector<1x1xf32>
    %reduce_sum3A_577 = vector.extract %reduce_sum3A_576[0, 0] : f32 from vector<1x1xf32>
    %add3A_578 = arith.addf %reduce_sum3A_567, %reduce_sum3A_577 : f32
    %jit3A_579 = arith.constant 1.000000e+00 : f32
    %jit3A_580 = arith.constant 0.000000e+00 : f32
    %broadcast_in_dim3A_581 = vector.broadcast %jit3A_579 : f32 to vector<512xf32>
    %broadcast_in_dim3A_582 = vector.broadcast %jit3A_580 : f32 to vector<512xf32>
    %select_n3A_583 = arith.select %ge3A_551, %broadcast_in_dim3A_581, %broadcast_in_dim3A_582 : vector<512xi1>, vector<512xf32>
    %reduce_sum3A_584 = vector.shape_cast %select_n3A_583 : vector<512xf32> to vector<1x512xf32>
    %reduce_sum3A_585 = arith.constant dense<0.000000e+00> : vector<1xf32>
    %reduce_sum3A_586 = vector.multi_reduction <add>, %reduce_sum3A_584, %reduce_sum3A_585 [1] : vector<1x512xf32> to vector<1xf32>
    %reduce_sum3A_587 = vector.shape_cast %reduce_sum3A_586 : vector<1xf32> to vector<1x1xf32>
    %reduce_sum3A_588 = vector.extract %reduce_sum3A_587[0, 0] : f32 from vector<1x1xf32>
    %sub3A_589 = arith.subf %add3A_578, %reduce_sum3A_588 : f32
    %add3A_590 = arith.addf %get3A_557, %sub3A_589 : f32
    %swap3A_591 = arith.constant 0 : index
    %swap3A_592 = arith.constant 7 : index
    %swap3A_593 = memref.load %arg4[%swap3A_591, %swap3A_592] : memref<2x10xf32, #tpu.memory_space<smem>>
    memref.store %add3A_590, %arg4[%swap3A_591, %swap3A_592] : memref<2x10xf32, #tpu.memory_space<smem>>
    %get3A_594 = arith.constant 1 : index
    %get3A_595 = arith.constant 7 : index
    %get3A_596 = memref.load %arg4[%get3A_594, %get3A_595] : memref<2x10xf32, #tpu.memory_space<smem>>
    %jit3A_597 = arith.constant 0.000000e+00 : bf16
    %broadcast_in_dim3A_598 = vector.broadcast %jit3A_597 : bf16 to vector<512x1000xbf16>
    %select_n3A_599 = arith.select %ge3A_548, %convert_element_type3A_8, %broadcast_in_dim3A_598 : vector<512x1000xi1>, vector<512x1000xbf16>
    %dot_general3A_600 = arith.constant dense<0.000000e+00> : vector<8x1000xf32>
    %dot_general3A_601 = tpu.matmul %broadcast_in_dim3A_9, %select_n3A_599, %dot_general3A_600 {dimension_numbers = #tpu.dot_dimension_numbers<[1], [0], [0], [1], [0, 0, 1, 1], [], []>, transpose_lhs_hint = false} : vector<8x512xbf16>, vector<512x1000xbf16>, vector<8x1000xf32> -> vector<8x1000xf32>
    %reduce_sum3A_602 = vector.shape_cast %dot_general3A_601 : vector<8x1000xf32> to vector<1x8x1000xf32>
    %reduce_sum3A_603 = arith.constant dense<0.000000e+00> : vector<1xf32>
    %reduce_sum3A_604 = vector.multi_reduction <add>, %reduce_sum3A_602, %reduce_sum3A_603 [1, 2] : vector<1x8x1000xf32> to vector<1xf32>
    %reduce_sum3A_605 = vector.shape_cast %reduce_sum3A_604 : vector<1xf32> to vector<1x1x1xf32>
    %reduce_sum3A_606 = vector.extract %reduce_sum3A_605[0, 0, 0] : f32 from vector<1x1x1xf32>
    %sub3A_607 = arith.subf %add3A_21, %get3A_11 : vector<512xf32>
    %jit3A_608 = arith.constant 0.000000e+00 : f32
    %broadcast_in_dim3A_609 = vector.broadcast %jit3A_608 : f32 to vector<512xf32>
    %select_n3A_610 = arith.select %le3A_554, %sub3A_607, %broadcast_in_dim3A_609 : vector<512xi1>, vector<512xf32>
    %reduce_sum3A_611 = vector.shape_cast %select_n3A_610 : vector<512xf32> to vector<1x512xf32>
    %reduce_sum3A_612 = arith.constant dense<0.000000e+00> : vector<1xf32>
    %reduce_sum3A_613 = vector.multi_reduction <add>, %reduce_sum3A_611, %reduce_sum3A_612 [1] : vector<1x512xf32> to vector<1xf32>
    %reduce_sum3A_614 = vector.shape_cast %reduce_sum3A_613 : vector<1xf32> to vector<1x1xf32>
    %reduce_sum3A_615 = vector.extract %reduce_sum3A_614[0, 0] : f32 from vector<1x1xf32>
    %add3A_616 = arith.addf %reduce_sum3A_606, %reduce_sum3A_615 : f32
    %jit3A_617 = arith.constant 0.000000e+00 : f32
    %broadcast_in_dim3A_618 = vector.broadcast %jit3A_617 : f32 to vector<512xf32>
    %select_n3A_619 = arith.select %ge3A_551, %add3A_21, %broadcast_in_dim3A_618 : vector<512xi1>, vector<512xf32>
    %reduce_sum3A_620 = vector.shape_cast %select_n3A_619 : vector<512xf32> to vector<1x512xf32>
    %reduce_sum3A_621 = arith.constant dense<0.000000e+00> : vector<1xf32>
    %reduce_sum3A_622 = vector.multi_reduction <add>, %reduce_sum3A_620, %reduce_sum3A_621 [1] : vector<1x512xf32> to vector<1xf32>
    %reduce_sum3A_623 = vector.shape_cast %reduce_sum3A_622 : vector<1xf32> to vector<1x1xf32>
    %reduce_sum3A_624 = vector.extract %reduce_sum3A_623[0, 0] : f32 from vector<1x1xf32>
    %sub3A_625 = arith.subf %add3A_616, %reduce_sum3A_624 : f32
    %add3A_626 = arith.addf %get3A_596, %sub3A_625 : f32
    %swap3A_627 = arith.constant 1 : index
    %swap3A_628 = arith.constant 7 : index
    %swap3A_629 = memref.load %arg4[%swap3A_627, %swap3A_628] : memref<2x10xf32, #tpu.memory_space<smem>>
    memref.store %add3A_626, %arg4[%swap3A_627, %swap3A_628] : memref<2x10xf32, #tpu.memory_space<smem>>
    %ge3A_630 = arith.constant 1.38629448 : f32
    %ge3A_631 = vector.broadcast %ge3A_630 : f32 to vector<512x1000xf32>
    %ge3A_632 = arith.cmpf oge, %get3A_3, %ge3A_631 : vector<512x1000xf32>
    %ge3A_633 = arith.constant 1.38629448 : f32
    %ge3A_634 = vector.broadcast %ge3A_633 : f32 to vector<512xf32>
    %ge3A_635 = arith.cmpf oge, %get3A_11, %ge3A_634 : vector<512xf32>
    %le3A_636 = arith.constant -1.38629448 : f32
    %le3A_637 = vector.broadcast %le3A_636 : f32 to vector<512xf32>
    %le3A_638 = arith.cmpf ole, %get3A_11, %le3A_637 : vector<512xf32>
    %get3A_639 = arith.constant 0 : index
    %get3A_640 = arith.constant 8 : index
    %get3A_641 = memref.load %arg4[%get3A_639, %get3A_640] : memref<2x10xf32, #tpu.memory_space<smem>>
    %convert_element_type3A_642 = arith.extui %ge3A_632 : vector<512x1000xi1> to vector<512x1000xi32>
    %convert_element_type3A_643 = arith.sitofp %convert_element_type3A_642 : vector<512x1000xi32> to vector<512x1000xf32>
    %convert_element_type3A_644 = arith.truncf %convert_element_type3A_643 : vector<512x1000xf32> to vector<512x1000xbf16>
    %dot_general3A_645 = arith.constant dense<0.000000e+00> : vector<8x1000xf32>
    %dot_general3A_646 = tpu.matmul %broadcast_in_dim3A_9, %convert_element_type3A_644, %dot_general3A_645 {dimension_numbers = #tpu.dot_dimension_numbers<[1], [0], [0], [1], [0, 0, 1, 1], [], []>, transpose_lhs_hint = false} : vector<8x512xbf16>, vector<512x1000xbf16>, vector<8x1000xf32> -> vector<8x1000xf32>
    %reduce_sum3A_647 = vector.shape_cast %dot_general3A_646 : vector<8x1000xf32> to vector<1x8x1000xf32>
    %reduce_sum3A_648 = arith.constant dense<0.000000e+00> : vector<1xf32>
    %reduce_sum3A_649 = vector.multi_reduction <add>, %reduce_sum3A_647, %reduce_sum3A_648 [1, 2] : vector<1x8x1000xf32> to vector<1xf32>
    %reduce_sum3A_650 = vector.shape_cast %reduce_sum3A_649 : vector<1xf32> to vector<1x1x1xf32>
    %reduce_sum3A_651 = vector.extract %reduce_sum3A_650[0, 0, 0] : f32 from vector<1x1x1xf32>
    %jit3A_652 = arith.constant 1.000000e+00 : f32
    %jit3A_653 = arith.constant 0.000000e+00 : f32
    %broadcast_in_dim3A_654 = vector.broadcast %jit3A_652 : f32 to vector<512xf32>
    %broadcast_in_dim3A_655 = vector.broadcast %jit3A_653 : f32 to vector<512xf32>
    %select_n3A_656 = arith.select %le3A_638, %broadcast_in_dim3A_654, %broadcast_in_dim3A_655 : vector<512xi1>, vector<512xf32>
    %reduce_sum3A_657 = vector.shape_cast %select_n3A_656 : vector<512xf32> to vector<1x512xf32>
    %reduce_sum3A_658 = arith.constant dense<0.000000e+00> : vector<1xf32>
    %reduce_sum3A_659 = vector.multi_reduction <add>, %reduce_sum3A_657, %reduce_sum3A_658 [1] : vector<1x512xf32> to vector<1xf32>
    %reduce_sum3A_660 = vector.shape_cast %reduce_sum3A_659 : vector<1xf32> to vector<1x1xf32>
    %reduce_sum3A_661 = vector.extract %reduce_sum3A_660[0, 0] : f32 from vector<1x1xf32>
    %add3A_662 = arith.addf %reduce_sum3A_651, %reduce_sum3A_661 : f32
    %jit3A_663 = arith.constant 1.000000e+00 : f32
    %jit3A_664 = arith.constant 0.000000e+00 : f32
    %broadcast_in_dim3A_665 = vector.broadcast %jit3A_663 : f32 to vector<512xf32>
    %broadcast_in_dim3A_666 = vector.broadcast %jit3A_664 : f32 to vector<512xf32>
    %select_n3A_667 = arith.select %ge3A_635, %broadcast_in_dim3A_665, %broadcast_in_dim3A_666 : vector<512xi1>, vector<512xf32>
    %reduce_sum3A_668 = vector.shape_cast %select_n3A_667 : vector<512xf32> to vector<1x512xf32>
    %reduce_sum3A_669 = arith.constant dense<0.000000e+00> : vector<1xf32>
    %reduce_sum3A_670 = vector.multi_reduction <add>, %reduce_sum3A_668, %reduce_sum3A_669 [1] : vector<1x512xf32> to vector<1xf32>
    %reduce_sum3A_671 = vector.shape_cast %reduce_sum3A_670 : vector<1xf32> to vector<1x1xf32>
    %reduce_sum3A_672 = vector.extract %reduce_sum3A_671[0, 0] : f32 from vector<1x1xf32>
    %sub3A_673 = arith.subf %add3A_662, %reduce_sum3A_672 : f32
    %add3A_674 = arith.addf %get3A_641, %sub3A_673 : f32
    %swap3A_675 = arith.constant 0 : index
    %swap3A_676 = arith.constant 8 : index
    %swap3A_677 = memref.load %arg4[%swap3A_675, %swap3A_676] : memref<2x10xf32, #tpu.memory_space<smem>>
    memref.store %add3A_674, %arg4[%swap3A_675, %swap3A_676] : memref<2x10xf32, #tpu.memory_space<smem>>
    %get3A_678 = arith.constant 1 : index
    %get3A_679 = arith.constant 8 : index
    %get3A_680 = memref.load %arg4[%get3A_678, %get3A_679] : memref<2x10xf32, #tpu.memory_space<smem>>
    %jit3A_681 = arith.constant 0.000000e+00 : bf16
    %broadcast_in_dim3A_682 = vector.broadcast %jit3A_681 : bf16 to vector<512x1000xbf16>
    %select_n3A_683 = arith.select %ge3A_632, %convert_element_type3A_8, %broadcast_in_dim3A_682 : vector<512x1000xi1>, vector<512x1000xbf16>
    %dot_general3A_684 = arith.constant dense<0.000000e+00> : vector<8x1000xf32>
    %dot_general3A_685 = tpu.matmul %broadcast_in_dim3A_9, %select_n3A_683, %dot_general3A_684 {dimension_numbers = #tpu.dot_dimension_numbers<[1], [0], [0], [1], [0, 0, 1, 1], [], []>, transpose_lhs_hint = false} : vector<8x512xbf16>, vector<512x1000xbf16>, vector<8x1000xf32> -> vector<8x1000xf32>
    %reduce_sum3A_686 = vector.shape_cast %dot_general3A_685 : vector<8x1000xf32> to vector<1x8x1000xf32>
    %reduce_sum3A_687 = arith.constant dense<0.000000e+00> : vector<1xf32>
    %reduce_sum3A_688 = vector.multi_reduction <add>, %reduce_sum3A_686, %reduce_sum3A_687 [1, 2] : vector<1x8x1000xf32> to vector<1xf32>
    %reduce_sum3A_689 = vector.shape_cast %reduce_sum3A_688 : vector<1xf32> to vector<1x1x1xf32>
    %reduce_sum3A_690 = vector.extract %reduce_sum3A_689[0, 0, 0] : f32 from vector<1x1x1xf32>
    %sub3A_691 = arith.subf %add3A_21, %get3A_11 : vector<512xf32>
    %jit3A_692 = arith.constant 0.000000e+00 : f32
    %broadcast_in_dim3A_693 = vector.broadcast %jit3A_692 : f32 to vector<512xf32>
    %select_n3A_694 = arith.select %le3A_638, %sub3A_691, %broadcast_in_dim3A_693 : vector<512xi1>, vector<512xf32>
    %reduce_sum3A_695 = vector.shape_cast %select_n3A_694 : vector<512xf32> to vector<1x512xf32>
    %reduce_sum3A_696 = arith.constant dense<0.000000e+00> : vector<1xf32>
    %reduce_sum3A_697 = vector.multi_reduction <add>, %reduce_sum3A_695, %reduce_sum3A_696 [1] : vector<1x512xf32> to vector<1xf32>
    %reduce_sum3A_698 = vector.shape_cast %reduce_sum3A_697 : vector<1xf32> to vector<1x1xf32>
    %reduce_sum3A_699 = vector.extract %reduce_sum3A_698[0, 0] : f32 from vector<1x1xf32>
    %add3A_700 = arith.addf %reduce_sum3A_690, %reduce_sum3A_699 : f32
    %jit3A_701 = arith.constant 0.000000e+00 : f32
    %broadcast_in_dim3A_702 = vector.broadcast %jit3A_701 : f32 to vector<512xf32>
    %select_n3A_703 = arith.select %ge3A_635, %add3A_21, %broadcast_in_dim3A_702 : vector<512xi1>, vector<512xf32>
    %reduce_sum3A_704 = vector.shape_cast %select_n3A_703 : vector<512xf32> to vector<1x512xf32>
    %reduce_sum3A_705 = arith.constant dense<0.000000e+00> : vector<1xf32>
    %reduce_sum3A_706 = vector.multi_reduction <add>, %reduce_sum3A_704, %reduce_sum3A_705 [1] : vector<1x512xf32> to vector<1xf32>
    %reduce_sum3A_707 = vector.shape_cast %reduce_sum3A_706 : vector<1xf32> to vector<1x1xf32>
    %reduce_sum3A_708 = vector.extract %reduce_sum3A_707[0, 0] : f32 from vector<1x1xf32>
    %sub3A_709 = arith.subf %add3A_700, %reduce_sum3A_708 : f32
    %add3A_710 = arith.addf %get3A_680, %sub3A_709 : f32
    %swap3A_711 = arith.constant 1 : index
    %swap3A_712 = arith.constant 8 : index
    %swap3A_713 = memref.load %arg4[%swap3A_711, %swap3A_712] : memref<2x10xf32, #tpu.memory_space<smem>>
    memref.store %add3A_710, %arg4[%swap3A_711, %swap3A_712] : memref<2x10xf32, #tpu.memory_space<smem>>
    %ge3A_714 = arith.constant 2.19722438 : f32
    %ge3A_715 = vector.broadcast %ge3A_714 : f32 to vector<512x1000xf32>
    %ge3A_716 = arith.cmpf oge, %get3A_3, %ge3A_715 : vector<512x1000xf32>
    %ge3A_717 = arith.constant 2.19722438 : f32
    %ge3A_718 = vector.broadcast %ge3A_717 : f32 to vector<512xf32>
    %ge3A_719 = arith.cmpf oge, %get3A_11, %ge3A_718 : vector<512xf32>
    %le3A_720 = arith.constant -2.19722438 : f32
    %le3A_721 = vector.broadcast %le3A_720 : f32 to vector<512xf32>
    %le3A_722 = arith.cmpf ole, %get3A_11, %le3A_721 : vector<512xf32>
    %get3A_723 = arith.constant 0 : index
    %get3A_724 = arith.constant 9 : index
    %get3A_725 = memref.load %arg4[%get3A_723, %get3A_724] : memref<2x10xf32, #tpu.memory_space<smem>>
    %convert_element_type3A_726 = arith.extui %ge3A_716 : vector<512x1000xi1> to vector<512x1000xi32>
    %convert_element_type3A_727 = arith.sitofp %convert_element_type3A_726 : vector<512x1000xi32> to vector<512x1000xf32>
    %convert_element_type3A_728 = arith.truncf %convert_element_type3A_727 : vector<512x1000xf32> to vector<512x1000xbf16>
    %dot_general3A_729 = arith.constant dense<0.000000e+00> : vector<8x1000xf32>
    %dot_general3A_730 = tpu.matmul %broadcast_in_dim3A_9, %convert_element_type3A_728, %dot_general3A_729 {dimension_numbers = #tpu.dot_dimension_numbers<[1], [0], [0], [1], [0, 0, 1, 1], [], []>, transpose_lhs_hint = false} : vector<8x512xbf16>, vector<512x1000xbf16>, vector<8x1000xf32> -> vector<8x1000xf32>
    %reduce_sum3A_731 = vector.shape_cast %dot_general3A_730 : vector<8x1000xf32> to vector<1x8x1000xf32>
    %reduce_sum3A_732 = arith.constant dense<0.000000e+00> : vector<1xf32>
    %reduce_sum3A_733 = vector.multi_reduction <add>, %reduce_sum3A_731, %reduce_sum3A_732 [1, 2] : vector<1x8x1000xf32> to vector<1xf32>
    %reduce_sum3A_734 = vector.shape_cast %reduce_sum3A_733 : vector<1xf32> to vector<1x1x1xf32>
    %reduce_sum3A_735 = vector.extract %reduce_sum3A_734[0, 0, 0] : f32 from vector<1x1x1xf32>
    %jit3A_736 = arith.constant 1.000000e+00 : f32
    %jit3A_737 = arith.constant 0.000000e+00 : f32
    %broadcast_in_dim3A_738 = vector.broadcast %jit3A_736 : f32 to vector<512xf32>
    %broadcast_in_dim3A_739 = vector.broadcast %jit3A_737 : f32 to vector<512xf32>
    %select_n3A_740 = arith.select %le3A_722, %broadcast_in_dim3A_738, %broadcast_in_dim3A_739 : vector<512xi1>, vector<512xf32>
    %reduce_sum3A_741 = vector.shape_cast %select_n3A_740 : vector<512xf32> to vector<1x512xf32>
    %reduce_sum3A_742 = arith.constant dense<0.000000e+00> : vector<1xf32>
    %reduce_sum3A_743 = vector.multi_reduction <add>, %reduce_sum3A_741, %reduce_sum3A_742 [1] : vector<1x512xf32> to vector<1xf32>
    %reduce_sum3A_744 = vector.shape_cast %reduce_sum3A_743 : vector<1xf32> to vector<1x1xf32>
    %reduce_sum3A_745 = vector.extract %reduce_sum3A_744[0, 0] : f32 from vector<1x1xf32>
    %add3A_746 = arith.addf %reduce_sum3A_735, %reduce_sum3A_745 : f32
    %jit3A_747 = arith.constant 1.000000e+00 : f32
    %jit3A_748 = arith.constant 0.000000e+00 : f32
    %broadcast_in_dim3A_749 = vector.broadcast %jit3A_747 : f32 to vector<512xf32>
    %broadcast_in_dim3A_750 = vector.broadcast %jit3A_748 : f32 to vector<512xf32>
    %select_n3A_751 = arith.select %ge3A_719, %broadcast_in_dim3A_749, %broadcast_in_dim3A_750 : vector<512xi1>, vector<512xf32>
    %reduce_sum3A_752 = vector.shape_cast %select_n3A_751 : vector<512xf32> to vector<1x512xf32>
    %reduce_sum3A_753 = arith.constant dense<0.000000e+00> : vector<1xf32>
    %reduce_sum3A_754 = vector.multi_reduction <add>, %reduce_sum3A_752, %reduce_sum3A_753 [1] : vector<1x512xf32> to vector<1xf32>
    %reduce_sum3A_755 = vector.shape_cast %reduce_sum3A_754 : vector<1xf32> to vector<1x1xf32>
    %reduce_sum3A_756 = vector.extract %reduce_sum3A_755[0, 0] : f32 from vector<1x1xf32>
    %sub3A_757 = arith.subf %add3A_746, %reduce_sum3A_756 : f32
    %add3A_758 = arith.addf %get3A_725, %sub3A_757 : f32
    %swap3A_759 = arith.constant 0 : index
    %swap3A_760 = arith.constant 9 : index
    %swap3A_761 = memref.load %arg4[%swap3A_759, %swap3A_760] : memref<2x10xf32, #tpu.memory_space<smem>>
    memref.store %add3A_758, %arg4[%swap3A_759, %swap3A_760] : memref<2x10xf32, #tpu.memory_space<smem>>
    %get3A_762 = arith.constant 1 : index
    %get3A_763 = arith.constant 9 : index
    %get3A_764 = memref.load %arg4[%get3A_762, %get3A_763] : memref<2x10xf32, #tpu.memory_space<smem>>
    %jit3A_765 = arith.constant 0.000000e+00 : bf16
    %broadcast_in_dim3A_766 = vector.broadcast %jit3A_765 : bf16 to vector<512x1000xbf16>
    %select_n3A_767 = arith.select %ge3A_716, %convert_element_type3A_8, %broadcast_in_dim3A_766 : vector<512x1000xi1>, vector<512x1000xbf16>
    %dot_general3A_768 = arith.constant dense<0.000000e+00> : vector<8x1000xf32>
    %dot_general3A_769 = tpu.matmul %broadcast_in_dim3A_9, %select_n3A_767, %dot_general3A_768 {dimension_numbers = #tpu.dot_dimension_numbers<[1], [0], [0], [1], [0, 0, 1, 1], [], []>, transpose_lhs_hint = false} : vector<8x512xbf16>, vector<512x1000xbf16>, vector<8x1000xf32> -> vector<8x1000xf32>
    %reduce_sum3A_770 = vector.shape_cast %dot_general3A_769 : vector<8x1000xf32> to vector<1x8x1000xf32>
    %reduce_sum3A_771 = arith.constant dense<0.000000e+00> : vector<1xf32>
    %reduce_sum3A_772 = vector.multi_reduction <add>, %reduce_sum3A_770, %reduce_sum3A_771 [1, 2] : vector<1x8x1000xf32> to vector<1xf32>
    %reduce_sum3A_773 = vector.shape_cast %reduce_sum3A_772 : vector<1xf32> to vector<1x1x1xf32>
    %reduce_sum3A_774 = vector.extract %reduce_sum3A_773[0, 0, 0] : f32 from vector<1x1x1xf32>
    %sub3A_775 = arith.subf %add3A_21, %get3A_11 : vector<512xf32>
    %jit3A_776 = arith.constant 0.000000e+00 : f32
    %broadcast_in_dim3A_777 = vector.broadcast %jit3A_776 : f32 to vector<512xf32>
    %select_n3A_778 = arith.select %le3A_722, %sub3A_775, %broadcast_in_dim3A_777 : vector<512xi1>, vector<512xf32>
    %reduce_sum3A_779 = vector.shape_cast %select_n3A_778 : vector<512xf32> to vector<1x512xf32>
    %reduce_sum3A_780 = arith.constant dense<0.000000e+00> : vector<1xf32>
    %reduce_sum3A_781 = vector.multi_reduction <add>, %reduce_sum3A_779, %reduce_sum3A_780 [1] : vector<1x512xf32> to vector<1xf32>
    %reduce_sum3A_782 = vector.shape_cast %reduce_sum3A_781 : vector<1xf32> to vector<1x1xf32>
    %reduce_sum3A_783 = vector.extract %reduce_sum3A_782[0, 0] : f32 from vector<1x1xf32>
    %add3A_784 = arith.addf %reduce_sum3A_774, %reduce_sum3A_783 : f32
    %jit3A_785 = arith.constant 0.000000e+00 : f32
    %broadcast_in_dim3A_786 = vector.broadcast %jit3A_785 : f32 to vector<512xf32>
    %select_n3A_787 = arith.select %ge3A_719, %add3A_21, %broadcast_in_dim3A_786 : vector<512xi1>, vector<512xf32>
    %reduce_sum3A_788 = vector.shape_cast %select_n3A_787 : vector<512xf32> to vector<1x512xf32>
    %reduce_sum3A_789 = arith.constant dense<0.000000e+00> : vector<1xf32>
    %reduce_sum3A_790 = vector.multi_reduction <add>, %reduce_sum3A_788, %reduce_sum3A_789 [1] : vector<1x512xf32> to vector<1xf32>
    %reduce_sum3A_791 = vector.shape_cast %reduce_sum3A_790 : vector<1xf32> to vector<1x1xf32>
    %reduce_sum3A_792 = vector.extract %reduce_sum3A_791[0, 0] : f32 from vector<1x1xf32>
    %sub3A_793 = arith.subf %add3A_784, %reduce_sum3A_792 : f32
    %add3A_794 = arith.addf %get3A_764, %sub3A_793 : f32
    %swap3A_795 = arith.constant 1 : index
    %swap3A_796 = arith.constant 9 : index
    %swap3A_797 = memref.load %arg4[%swap3A_795, %swap3A_796] : memref<2x10xf32, #tpu.memory_space<smem>>
    memref.store %add3A_794, %arg4[%swap3A_795, %swap3A_796] : memref<2x10xf32, #tpu.memory_space<smem>>
    %eq3A_798 = arith.constant 31 : i32
    %eq3A_799 = arith.cmpi eq, %arg0, %eq3A_798 : i32
    %convert_element_type3A_800 = arith.extui %eq3A_799 : i1 to i32
    %cond3A_801 = arith.constant 0 : i32
    %cond3A_802 = arith.cmpi ne, %convert_element_type3A_800, %cond3A_801 : i32
    scf.if %cond3A_802 {
      %get3A_803 = arith.constant 0 : index
      %get3A_804 = arith.constant 0 : index
      %get3A_805 = memref.load %arg4[%get3A_803, %get3A_804] : memref<2x10xf32, #tpu.memory_space<smem>>
      %get3A_806 = arith.constant 0 : index
      %get3A_807 = arith.constant 1 : index
      %get3A_808 = memref.load %arg4[%get3A_806, %get3A_807] : memref<2x10xf32, #tpu.memory_space<smem>>
      %sub3A_809 = arith.subf %get3A_805, %get3A_808 : f32
      %get3A_810 = arith.constant 1 : index
      %get3A_811 = arith.constant 0 : index
      %get3A_812 = memref.load %arg4[%get3A_810, %get3A_811] : memref<2x10xf32, #tpu.memory_space<smem>>
      %get3A_813 = arith.constant 1 : index
      %get3A_814 = arith.constant 1 : index
      %get3A_815 = memref.load %arg4[%get3A_813, %get3A_814] : memref<2x10xf32, #tpu.memory_space<smem>>
      %sub3A_816 = arith.subf %get3A_812, %get3A_815 : f32
      %gt3A = arith.constant 0.000000e+00 : f32
      %gt3A_817 = arith.cmpf ogt, %sub3A_809, %gt3A : f32
      %jit3A_818 = arith.constant 1.000000e+00 : f32
      %jit3A_819 = arith.constant 0.000000e+00 : f32
      %select_n3A_820 = arith.select %gt3A_817, %jit3A_818, %jit3A_819 : f32
      %add3A_821 = arith.constant 0.000000e+00 : f32
      %add3A_822 = arith.addf %add3A_821, %select_n3A_820 : f32
      %max3A_823 = arith.constant 1.000000e+00 : f32
      %max3A_824 = arith.maximumf %sub3A_809, %max3A_823 : f32
      %div3A = arith.divf %sub3A_816, %max3A_824 : f32
      %jit3A_825 = arith.constant 0.000000e+00 : f32
      %select_n3A_826 = arith.select %gt3A_817, %div3A, %jit3A_825 : f32
      %add3A_827 = arith.constant 0.000000e+00 : f32
      %add3A_828 = arith.addf %add3A_827, %select_n3A_826 : f32
      %get3A_829 = arith.constant 0 : index
      %get3A_830 = arith.constant 1 : index
      %get3A_831 = memref.load %arg4[%get3A_829, %get3A_830] : memref<2x10xf32, #tpu.memory_space<smem>>
      %get3A_832 = arith.constant 0 : index
      %get3A_833 = arith.constant 2 : index
      %get3A_834 = memref.load %arg4[%get3A_832, %get3A_833] : memref<2x10xf32, #tpu.memory_space<smem>>
      %sub3A_835 = arith.subf %get3A_831, %get3A_834 : f32
      %get3A_836 = arith.constant 1 : index
      %get3A_837 = arith.constant 1 : index
      %get3A_838 = memref.load %arg4[%get3A_836, %get3A_837] : memref<2x10xf32, #tpu.memory_space<smem>>
      %get3A_839 = arith.constant 1 : index
      %get3A_840 = arith.constant 2 : index
      %get3A_841 = memref.load %arg4[%get3A_839, %get3A_840] : memref<2x10xf32, #tpu.memory_space<smem>>
      %sub3A_842 = arith.subf %get3A_838, %get3A_841 : f32
      %gt3A_843 = arith.constant 0.000000e+00 : f32
      %gt3A_844 = arith.cmpf ogt, %sub3A_835, %gt3A_843 : f32
      %jit3A_845 = arith.constant 1.000000e+00 : f32
      %jit3A_846 = arith.constant 0.000000e+00 : f32
      %select_n3A_847 = arith.select %gt3A_844, %jit3A_845, %jit3A_846 : f32
      %add3A_848 = arith.addf %add3A_822, %select_n3A_847 : f32
      %max3A_849 = arith.constant 1.000000e+00 : f32
      %max3A_850 = arith.maximumf %sub3A_835, %max3A_849 : f32
      %div3A_851 = arith.divf %sub3A_842, %max3A_850 : f32
      %jit3A_852 = arith.constant 0.000000e+00 : f32
      %select_n3A_853 = arith.select %gt3A_844, %div3A_851, %jit3A_852 : f32
      %add3A_854 = arith.addf %add3A_828, %select_n3A_853 : f32
      %get3A_855 = arith.constant 0 : index
      %get3A_856 = arith.constant 2 : index
      %get3A_857 = memref.load %arg4[%get3A_855, %get3A_856] : memref<2x10xf32, #tpu.memory_space<smem>>
      %get3A_858 = arith.constant 0 : index
      %get3A_859 = arith.constant 3 : index
      %get3A_860 = memref.load %arg4[%get3A_858, %get3A_859] : memref<2x10xf32, #tpu.memory_space<smem>>
      %sub3A_861 = arith.subf %get3A_857, %get3A_860 : f32
      %get3A_862 = arith.constant 1 : index
      %get3A_863 = arith.constant 2 : index
      %get3A_864 = memref.load %arg4[%get3A_862, %get3A_863] : memref<2x10xf32, #tpu.memory_space<smem>>
      %get3A_865 = arith.constant 1 : index
      %get3A_866 = arith.constant 3 : index
      %get3A_867 = memref.load %arg4[%get3A_865, %get3A_866] : memref<2x10xf32, #tpu.memory_space<smem>>
      %sub3A_868 = arith.subf %get3A_864, %get3A_867 : f32
      %gt3A_869 = arith.constant 0.000000e+00 : f32
      %gt3A_870 = arith.cmpf ogt, %sub3A_861, %gt3A_869 : f32
      %jit3A_871 = arith.constant 1.000000e+00 : f32
      %jit3A_872 = arith.constant 0.000000e+00 : f32
      %select_n3A_873 = arith.select %gt3A_870, %jit3A_871, %jit3A_872 : f32
      %add3A_874 = arith.addf %add3A_848, %select_n3A_873 : f32
      %max3A_875 = arith.constant 1.000000e+00 : f32
      %max3A_876 = arith.maximumf %sub3A_861, %max3A_875 : f32
      %div3A_877 = arith.divf %sub3A_868, %max3A_876 : f32
      %jit3A_878 = arith.constant 0.000000e+00 : f32
      %select_n3A_879 = arith.select %gt3A_870, %div3A_877, %jit3A_878 : f32
      %add3A_880 = arith.addf %add3A_854, %select_n3A_879 : f32
      %get3A_881 = arith.constant 0 : index
      %get3A_882 = arith.constant 3 : index
      %get3A_883 = memref.load %arg4[%get3A_881, %get3A_882] : memref<2x10xf32, #tpu.memory_space<smem>>
      %get3A_884 = arith.constant 0 : index
      %get3A_885 = arith.constant 4 : index
      %get3A_886 = memref.load %arg4[%get3A_884, %get3A_885] : memref<2x10xf32, #tpu.memory_space<smem>>
      %sub3A_887 = arith.subf %get3A_883, %get3A_886 : f32
      %get3A_888 = arith.constant 1 : index
      %get3A_889 = arith.constant 3 : index
      %get3A_890 = memref.load %arg4[%get3A_888, %get3A_889] : memref<2x10xf32, #tpu.memory_space<smem>>
      %get3A_891 = arith.constant 1 : index
      %get3A_892 = arith.constant 4 : index
      %get3A_893 = memref.load %arg4[%get3A_891, %get3A_892] : memref<2x10xf32, #tpu.memory_space<smem>>
      %sub3A_894 = arith.subf %get3A_890, %get3A_893 : f32
      %gt3A_895 = arith.constant 0.000000e+00 : f32
      %gt3A_896 = arith.cmpf ogt, %sub3A_887, %gt3A_895 : f32
      %jit3A_897 = arith.constant 1.000000e+00 : f32
      %jit3A_898 = arith.constant 0.000000e+00 : f32
      %select_n3A_899 = arith.select %gt3A_896, %jit3A_897, %jit3A_898 : f32
      %add3A_900 = arith.addf %add3A_874, %select_n3A_899 : f32
      %max3A_901 = arith.constant 1.000000e+00 : f32
      %max3A_902 = arith.maximumf %sub3A_887, %max3A_901 : f32
      %div3A_903 = arith.divf %sub3A_894, %max3A_902 : f32
      %jit3A_904 = arith.constant 0.000000e+00 : f32
      %select_n3A_905 = arith.select %gt3A_896, %div3A_903, %jit3A_904 : f32
      %add3A_906 = arith.addf %add3A_880, %select_n3A_905 : f32
      %get3A_907 = arith.constant 0 : index
      %get3A_908 = arith.constant 4 : index
      %get3A_909 = memref.load %arg4[%get3A_907, %get3A_908] : memref<2x10xf32, #tpu.memory_space<smem>>
      %get3A_910 = arith.constant 0 : index
      %get3A_911 = arith.constant 5 : index
      %get3A_912 = memref.load %arg4[%get3A_910, %get3A_911] : memref<2x10xf32, #tpu.memory_space<smem>>
      %sub3A_913 = arith.subf %get3A_909, %get3A_912 : f32
      %get3A_914 = arith.constant 1 : index
      %get3A_915 = arith.constant 4 : index
      %get3A_916 = memref.load %arg4[%get3A_914, %get3A_915] : memref<2x10xf32, #tpu.memory_space<smem>>
      %get3A_917 = arith.constant 1 : index
      %get3A_918 = arith.constant 5 : index
      %get3A_919 = memref.load %arg4[%get3A_917, %get3A_918] : memref<2x10xf32, #tpu.memory_space<smem>>
      %sub3A_920 = arith.subf %get3A_916, %get3A_919 : f32
      %gt3A_921 = arith.constant 0.000000e+00 : f32
      %gt3A_922 = arith.cmpf ogt, %sub3A_913, %gt3A_921 : f32
      %jit3A_923 = arith.constant 1.000000e+00 : f32
      %jit3A_924 = arith.constant 0.000000e+00 : f32
      %select_n3A_925 = arith.select %gt3A_922, %jit3A_923, %jit3A_924 : f32
      %add3A_926 = arith.addf %add3A_900, %select_n3A_925 : f32
      %max3A_927 = arith.constant 1.000000e+00 : f32
      %max3A_928 = arith.maximumf %sub3A_913, %max3A_927 : f32
      %div3A_929 = arith.divf %sub3A_920, %max3A_928 : f32
      %jit3A_930 = arith.constant 0.000000e+00 : f32
      %select_n3A_931 = arith.select %gt3A_922, %div3A_929, %jit3A_930 : f32
      %add3A_932 = arith.addf %add3A_906, %select_n3A_931 : f32
      %get3A_933 = arith.constant 0 : index
      %get3A_934 = arith.constant 5 : index
      %get3A_935 = memref.load %arg4[%get3A_933, %get3A_934] : memref<2x10xf32, #tpu.memory_space<smem>>
      %get3A_936 = arith.constant 0 : index
      %get3A_937 = arith.constant 6 : index
      %get3A_938 = memref.load %arg4[%get3A_936, %get3A_937] : memref<2x10xf32, #tpu.memory_space<smem>>
      %sub3A_939 = arith.subf %get3A_935, %get3A_938 : f32
      %get3A_940 = arith.constant 1 : index
      %get3A_941 = arith.constant 5 : index
      %get3A_942 = memref.load %arg4[%get3A_940, %get3A_941] : memref<2x10xf32, #tpu.memory_space<smem>>
      %get3A_943 = arith.constant 1 : index
      %get3A_944 = arith.constant 6 : index
      %get3A_945 = memref.load %arg4[%get3A_943, %get3A_944] : memref<2x10xf32, #tpu.memory_space<smem>>
      %sub3A_946 = arith.subf %get3A_942, %get3A_945 : f32
      %gt3A_947 = arith.constant 0.000000e+00 : f32
      %gt3A_948 = arith.cmpf ogt, %sub3A_939, %gt3A_947 : f32
      %jit3A_949 = arith.constant 1.000000e+00 : f32
      %jit3A_950 = arith.constant 0.000000e+00 : f32
      %select_n3A_951 = arith.select %gt3A_948, %jit3A_949, %jit3A_950 : f32
      %add3A_952 = arith.addf %add3A_926, %select_n3A_951 : f32
      %max3A_953 = arith.constant 1.000000e+00 : f32
      %max3A_954 = arith.maximumf %sub3A_939, %max3A_953 : f32
      %div3A_955 = arith.divf %sub3A_946, %max3A_954 : f32
      %jit3A_956 = arith.constant 0.000000e+00 : f32
      %select_n3A_957 = arith.select %gt3A_948, %div3A_955, %jit3A_956 : f32
      %add3A_958 = arith.addf %add3A_932, %select_n3A_957 : f32
      %get3A_959 = arith.constant 0 : index
      %get3A_960 = arith.constant 6 : index
      %get3A_961 = memref.load %arg4[%get3A_959, %get3A_960] : memref<2x10xf32, #tpu.memory_space<smem>>
      %get3A_962 = arith.constant 0 : index
      %get3A_963 = arith.constant 7 : index
      %get3A_964 = memref.load %arg4[%get3A_962, %get3A_963] : memref<2x10xf32, #tpu.memory_space<smem>>
      %sub3A_965 = arith.subf %get3A_961, %get3A_964 : f32
      %get3A_966 = arith.constant 1 : index
      %get3A_967 = arith.constant 6 : index
      %get3A_968 = memref.load %arg4[%get3A_966, %get3A_967] : memref<2x10xf32, #tpu.memory_space<smem>>
      %get3A_969 = arith.constant 1 : index
      %get3A_970 = arith.constant 7 : index
      %get3A_971 = memref.load %arg4[%get3A_969, %get3A_970] : memref<2x10xf32, #tpu.memory_space<smem>>
      %sub3A_972 = arith.subf %get3A_968, %get3A_971 : f32
      %gt3A_973 = arith.constant 0.000000e+00 : f32
      %gt3A_974 = arith.cmpf ogt, %sub3A_965, %gt3A_973 : f32
      %jit3A_975 = arith.constant 1.000000e+00 : f32
      %jit3A_976 = arith.constant 0.000000e+00 : f32
      %select_n3A_977 = arith.select %gt3A_974, %jit3A_975, %jit3A_976 : f32
      %add3A_978 = arith.addf %add3A_952, %select_n3A_977 : f32
      %max3A_979 = arith.constant 1.000000e+00 : f32
      %max3A_980 = arith.maximumf %sub3A_965, %max3A_979 : f32
      %div3A_981 = arith.divf %sub3A_972, %max3A_980 : f32
      %jit3A_982 = arith.constant 0.000000e+00 : f32
      %select_n3A_983 = arith.select %gt3A_974, %div3A_981, %jit3A_982 : f32
      %add3A_984 = arith.addf %add3A_958, %select_n3A_983 : f32
      %get3A_985 = arith.constant 0 : index
      %get3A_986 = arith.constant 7 : index
      %get3A_987 = memref.load %arg4[%get3A_985, %get3A_986] : memref<2x10xf32, #tpu.memory_space<smem>>
      %get3A_988 = arith.constant 0 : index
      %get3A_989 = arith.constant 8 : index
      %get3A_990 = memref.load %arg4[%get3A_988, %get3A_989] : memref<2x10xf32, #tpu.memory_space<smem>>
      %sub3A_991 = arith.subf %get3A_987, %get3A_990 : f32
      %get3A_992 = arith.constant 1 : index
      %get3A_993 = arith.constant 7 : index
      %get3A_994 = memref.load %arg4[%get3A_992, %get3A_993] : memref<2x10xf32, #tpu.memory_space<smem>>
      %get3A_995 = arith.constant 1 : index
      %get3A_996 = arith.constant 8 : index
      %get3A_997 = memref.load %arg4[%get3A_995, %get3A_996] : memref<2x10xf32, #tpu.memory_space<smem>>
      %sub3A_998 = arith.subf %get3A_994, %get3A_997 : f32
      %gt3A_999 = arith.constant 0.000000e+00 : f32
      %gt3A_1000 = arith.cmpf ogt, %sub3A_991, %gt3A_999 : f32
      %jit3A_1001 = arith.constant 1.000000e+00 : f32
      %jit3A_1002 = arith.constant 0.000000e+00 : f32
      %select_n3A_1003 = arith.select %gt3A_1000, %jit3A_1001, %jit3A_1002 : f32
      %add3A_1004 = arith.addf %add3A_978, %select_n3A_1003 : f32
      %max3A_1005 = arith.constant 1.000000e+00 : f32
      %max3A_1006 = arith.maximumf %sub3A_991, %max3A_1005 : f32
      %div3A_1007 = arith.divf %sub3A_998, %max3A_1006 : f32
      %jit3A_1008 = arith.constant 0.000000e+00 : f32
      %select_n3A_1009 = arith.select %gt3A_1000, %div3A_1007, %jit3A_1008 : f32
      %add3A_1010 = arith.addf %add3A_984, %select_n3A_1009 : f32
      %get3A_1011 = arith.constant 0 : index
      %get3A_1012 = arith.constant 8 : index
      %get3A_1013 = memref.load %arg4[%get3A_1011, %get3A_1012] : memref<2x10xf32, #tpu.memory_space<smem>>
      %get3A_1014 = arith.constant 0 : index
      %get3A_1015 = arith.constant 9 : index
      %get3A_1016 = memref.load %arg4[%get3A_1014, %get3A_1015] : memref<2x10xf32, #tpu.memory_space<smem>>
      %sub3A_1017 = arith.subf %get3A_1013, %get3A_1016 : f32
      %get3A_1018 = arith.constant 1 : index
      %get3A_1019 = arith.constant 8 : index
      %get3A_1020 = memref.load %arg4[%get3A_1018, %get3A_1019] : memref<2x10xf32, #tpu.memory_space<smem>>
      %get3A_1021 = arith.constant 1 : index
      %get3A_1022 = arith.constant 9 : index
      %get3A_1023 = memref.load %arg4[%get3A_1021, %get3A_1022] : memref<2x10xf32, #tpu.memory_space<smem>>
      %sub3A_1024 = arith.subf %get3A_1020, %get3A_1023 : f32
      %gt3A_1025 = arith.constant 0.000000e+00 : f32
      %gt3A_1026 = arith.cmpf ogt, %sub3A_1017, %gt3A_1025 : f32
      %jit3A_1027 = arith.constant 1.000000e+00 : f32
      %jit3A_1028 = arith.constant 0.000000e+00 : f32
      %select_n3A_1029 = arith.select %gt3A_1026, %jit3A_1027, %jit3A_1028 : f32
      %add3A_1030 = arith.addf %add3A_1004, %select_n3A_1029 : f32
      %max3A_1031 = arith.constant 1.000000e+00 : f32
      %max3A_1032 = arith.maximumf %sub3A_1017, %max3A_1031 : f32
      %div3A_1033 = arith.divf %sub3A_1024, %max3A_1032 : f32
      %jit3A_1034 = arith.constant 0.000000e+00 : f32
      %select_n3A_1035 = arith.select %gt3A_1026, %div3A_1033, %jit3A_1034 : f32
      %add3A_1036 = arith.addf %add3A_1010, %select_n3A_1035 : f32
      %get3A_1037 = arith.constant 0 : index
      %get3A_1038 = arith.constant 9 : index
      %get3A_1039 = memref.load %arg4[%get3A_1037, %get3A_1038] : memref<2x10xf32, #tpu.memory_space<smem>>
      %get3A_1040 = arith.constant 1 : index
      %get3A_1041 = arith.constant 9 : index
      %get3A_1042 = memref.load %arg4[%get3A_1040, %get3A_1041] : memref<2x10xf32, #tpu.memory_space<smem>>
      %gt3A_1043 = arith.constant 0.000000e+00 : f32
      %gt3A_1044 = arith.cmpf ogt, %get3A_1039, %gt3A_1043 : f32
      %jit3A_1045 = arith.constant 1.000000e+00 : f32
      %jit3A_1046 = arith.constant 0.000000e+00 : f32
      %select_n3A_1047 = arith.select %gt3A_1044, %jit3A_1045, %jit3A_1046 : f32
      %add3A_1048 = arith.addf %add3A_1030, %select_n3A_1047 : f32
      %max3A_1049 = arith.constant 1.000000e+00 : f32
      %max3A_1050 = arith.maximumf %get3A_1039, %max3A_1049 : f32
      %div3A_1051 = arith.divf %get3A_1042, %max3A_1050 : f32
      %jit3A_1052 = arith.constant 0.000000e+00 : f32
      %select_n3A_1053 = arith.select %gt3A_1044, %div3A_1051, %jit3A_1052 : f32
      %add3A_1054 = arith.addf %add3A_1036, %select_n3A_1053 : f32
      %max3A_1055 = arith.constant 1.000000e+00 : f32
      %max3A_1056 = arith.maximumf %add3A_1048, %max3A_1055 : f32
      %div3A_1057 = arith.divf %add3A_1054, %max3A_1056 : f32
      %swap3A_1058 = arith.constant 0 : index
      %swap3A_1059 = arith.constant 0 : index
      %swap3A_1060 = memref.load %arg3[%swap3A_1058, %swap3A_1059] : memref<1x1xf32, #tpu.memory_space<smem>>
      memref.store %div3A_1057, %arg3[%swap3A_1058, %swap3A_1059] : memref<1x1xf32, #tpu.memory_space<smem>>
    } else {
    }
    return
  }
  func.func @transform_0(%arg0: i32) -> (i32, i32) {
    %c0_i32 = arith.constant 0 : i32
    %c0_i32_0 = arith.constant 0 : i32
    return %arg0, %c0_i32 : i32, i32
  }
  func.func @transform_1(%arg0: i32) -> i32 {
    %c0_i32 = arith.constant 0 : i32
    return %arg0 : i32
  }
  func.func @transform_2(%arg0: i32) -> (i32, i32) {
    %c0_i32 = arith.constant 0 : i32
    %c0_i32_0 = arith.constant 0 : i32
    %c0_i32_1 = arith.constant 0 : i32
    return %c0_i32, %c0_i32_0 : i32, i32
  }
}

</mosaic_0001>

<sc_bundles>
// kernel: kernel.4.cloned.1.call-start
scs
__scs_entry_jumppad:
0x0: {  	(pc) =	sbr.rel $0x88, $3  }
0x1: {  	(tag) =	ssettag $0x0;
	lr =	simm.s32 $0x1  }
0x2: {  	[smem:$0x3F9F] =	sst lr;
	_ =	strace $0xD0000000  }
0x3: {  	_ = 	snop  }
0x4: {  	_ = 	snop  }
0x5: {  	_ = 	snop  }
0x6: {  	_ = 	snop  }
0x7: {  	_ = 	snop  }
__scs_overlays_trampoline_lowered:
0x8: {  	[smem:$0x3FAE] =	sst s0  }
0x9: {  	[smem:$0x3FAF] =	sst s1  }
0xa: {  	[smem:$0x3FB0] =	sst s2  }
0xb: {  	[smem:$0x3FB1] =	sst s3  }
0xc: {  	[smem:$0x3FB2] =	sst s4  }
0xd: {  	[smem:$0x3FB3] =	sst s5  }
0xe: {  	[smem:$0x3FB4] =	sst s6  }
0xf: {  	[smem:$0x3FB5] =	sst s7  }
0x10: {  	[smem:$0x3FB6] =	sst s8  }
0x11: {  	[smem:$0x3FB7] =	sst s9;
	s0 =	simm.s32 @!p0 $0x0  }
0x12: {  	s1 =	sld [smem:$0x3F9D];
	s0 =	simm.s32 @p0 $0x1  }
0x13: {  	[smem:$0x3FB8] =	sst s0;
	s0 =	simm.s32 @!p1 $0x0  }
0x14: {  	s2 =	sld [smem:$0x3F9C];
	s0 =	simm.s32 @p1 $0x1  }
0x15: {  	[smem:$0x3FB9] =	sst s0;
	s0 =	simm.s32 @!p2 $0x0  }
0x16: {  	s3 =	sld [smem:$0x3FDB];
	s0 =	simm.s32 @p2 $0x1  }
0x17: {  	s4 =	simm.s32 $0x1BF5;
	[smem:$0x3FBB] =	sst s0  }
0x18: {  	s0 =	sld [smem:$0x3F9E];
	_ =	swait.ge [sflag:s4], $0x0  }
0x19: {  	s7 =	sld [smem:$0x3F9F]  }
0x1a: {  	s8 =	sadd.s32 $0xFFFFE003, lr  }
0x1b: {  	s9 =	sadd.s32 $0xFFFFFEF7, lr;
	s5 =	simm.s32 $0xFFFFFFFF;
	p2 =	slt.u32 s8, $0xFFFFF086  }
0x1c: {  	p1 =	slt.u32 s9, $0xF7A;
	s5 =	simm.s32 @!p2 $0x0  }
0x1d: {  	s5 =	simm.s32 @p1 $0x1;
	p0 =	seq.s32 s7, s2  }
0x1e: {  	s7 =	smul.u32 @!p0 $0xF7A, s2;
	p2 =	seq.s32 @!p0 s5, $0x0  }
0x1f: {  	s9 =	smul.u32 $0xF7A, s1;
	s8 =	simm.s32 @!p0 $0x1BF5;
	p2 =	por !p2, p0  }
0x20: {  	[sflag:s8] =	ssyncset.s32 @!p0 $0xFFFFF086;
	s6 =	sadd.s32 @!p0 s3, s7;
	s7 =	simm.s32 @!p0 $0x108  }
0x21: {  	s3 =	sadd.s32 s3, s9;
	s6 =	sadd.s32 @!p0 $0x88, s6;
	s7 =	simm.s32 @p2 $0x1082  }
0x22: {  	[simem:s7], [sflag:s8] =	dma.local @!p0 [hbm:s6], $0xF7A  }
0x23: {  	s9 =	sor.u32 $0xD0000000, s2;
	s6 =	simm.s32 $0x108;
	_ =	swait.ge @!p0 [sflag:s8], $0x0  }
0x24: {  	s3 =	sadd.s32 $0x88, s3;
	s6 =	simm.s32 @!p1 $0x1082;
	[sflag:s4] =	ssyncset.s32 $0xFFFFF086  }
0x25: {  	[simem:s6], [sflag:s4] =	dma.local [hbm:s3], $0xF7A  }
0x26: {  	[smem:$0x3F9F] =	sst s1;
	(tag) =	ssettag s2;
	_ =	strace s9  }
0x27: {  	s1 =	sld [smem:$0x3FAF]  }
0x28: {  	s2 =	sld [smem:$0x3FB0]  }
0x29: {  	s4 =	sld [smem:$0x3FB2]  }
0x2a: {  	p0 =	seq.s32 s5, $0x0;
	s5 =	sld [smem:$0x3FB3]  }
0x2b: {  	s6 =	sld [smem:$0x3FB4]  }
0x2c: {  	s7 =	sld [smem:$0x3FB5]  }
0x2d: {  	s3 =	simm.s32 $0x108;
	s8 =	sld [smem:$0x3FB6]  }
0x2e: {  	s3 =	simm.s32 @!p0 $0x1082;
	s9 =	sld [smem:$0x3FB7]  }
0x2f: {  	lr =	sadd.s32 s0, s3;
	s0 =	sld [smem:$0x3FAE]  }
0x30: {  	s3 =	sld [smem:$0x3FB1]  }
0x31: {  	[smem:$0x3FBA] =	sst s10  }
0x32: {  	s10 =	sld [smem:$0x3FB8];
	_ =	sdelay $0x3  }
0x33: {  	p0 =	seq.s32 s10, $0x1;
	s10 =	sld [smem:$0x3FBA];
	_ =	sdelay $0x3  }
0x34: {  	[smem:$0x3FBA] =	sst s10  }
0x35: {  	s10 =	sld [smem:$0x3FB9];
	_ =	sdelay $0x3  }
0x36: {  	p1 =	seq.s32 s10, $0x1;
	s10 =	sld [smem:$0x3FBA];
	_ =	sdelay $0x3  }
0x37: {  	[smem:$0x3FBA] =	sst s10  }
0x38: {  	s10 =	sld [smem:$0x3FBB]  }
0x39: {  	_ = 	snop;
	(pc) =	sbr.ind lr, $3  }
0x3a: {  	_ = 	snop  }
0x3b: {  	_ = 	snop  }
0x3c: {  	p2 =	seq.s32 s10, $0x1;
	s10 =	sld [smem:$0x3FBA]  }
0x3d: {  	_ =	shalt  }
0x3e: {  	_ =	shalt  }
0x3f: {  	_ =	shalt  }
0x40: {  	_ =	shalt  }
0x41: {  	_ =	shalt  }
0x42: {  	_ =	shalt  }
0x43: {  	_ =	shalt  }
0x44: {  	_ =	shalt  }
0x45: {  	_ =	shalt  }
0x46: {  	_ =	shalt  }
0x47: {  	_ =	shalt  }
0x48: {  	_ =	shalt  }
0x49: {  	_ =	shalt  }
0x4a: {  	_ =	shalt  }
0x4b: {  	_ =	shalt  }
0x4c: {  	_ =	shalt  }
0x4d: {  	_ =	shalt  }
0x4e: {  	_ =	shalt  }
0x4f: {  	_ =	shalt  }
0x50: {  	_ =	shalt  }
0x51: {  	_ =	shalt  }
0x52: {  	_ =	shalt  }
0x53: {  	_ =	shalt  }
0x54: {  	_ =	shalt  }
0x55: {  	_ =	shalt  }
0x56: {  	_ =	shalt  }
0x57: {  	_ =	shalt  }
0x58: {  	_ =	shalt  }
0x59: {  	_ =	shalt  }
0x5a: {  	_ =	shalt  }
0x5b: {  	_ =	shalt  }
0x5c: {  	_ =	shalt  }
0x5d: {  	_ =	shalt  }
0x5e: {  	_ =	shalt  }
0x5f: {  	_ =	shalt  }
0x60: {  	_ =	shalt  }
0x61: {  	_ =	shalt  }
0x62: {  	_ =	shalt  }
0x63: {  	_ =	shalt  }
0x64: {  	_ =	shalt  }
0x65: {  	_ =	shalt  }
0x66: {  	_ =	shalt  }
0x67: {  	_ =	shalt  }
0x68: {  	_ =	shalt  }
0x69: {  	_ =	shalt  }
0x6a: {  	_ =	shalt  }
0x6b: {  	_ =	shalt  }
0x6c: {  	_ =	shalt  }
0x6d: {  	_ =	shalt  }
0x6e: {  	_ =	shalt  }
0x6f: {  	_ =	shalt  }
0x70: {  	_ =	shalt  }
0x71: {  	_ =	shalt  }
0x72: {  	_ =	shalt  }
0x73: {  	_ =	shalt  }
0x74: {  	_ =	shalt  }
0x75: {  	_ =	shalt  }
0x76: {  	_ =	shalt  }
0x77: {  	_ =	shalt  }
0x78: {  	_ =	shalt  }
0x79: {  	_ =	shalt  }
0x7a: {  	_ =	shalt  }
0x7b: {  	_ =	shalt  }
0x7c: {  	_ =	shalt  }
0x7d: {  	_ =	shalt  }
0x7e: {  	_ =	shalt  }
0x7f: {  	_ =	shalt  }
0x80: {  	_ =	shalt  }
0x81: {  	_ =	shalt  }
0x82: {  	_ =	shalt  }
0x83: {  	_ =	shalt  }
0x84: {  	_ =	shalt  }
0x85: {  	_ =	shalt  }
0x86: {  	_ =	shalt  }
0x87: {  	_ =	shalt  }
.Lfunc_end0:
.L_simem_size_0:
called_computation_lowered:
.L_overlay_start_0:
0x88: {  	s2 =	sld [smem:$0x3FD9]  }
0x89: {  	s3 =	sld [smem:$0x3FFE];
	_ =	sdelay $0x1  }
0x8a: {  	s1 =	srdreg.scid  }
0x8b: {  	s0 =	sand.u32 $0x1, s1  }
0x8c: {  	s16 =	sshll.u32 s0, $0xA;
	s2 =	sadd.s32 s3, s2  }
0x8d: {  	s2 =	sadd.s32 s2, s16  }
0x8e: {  	[smem:$0x3FC6] =	sst s2  }
0x8f: {  	_ = 	snop  }
0x90: {  	(tm) =	ssettm $0x1  }
0x91: {  	s17 =	sld [smem:$0x3FFB];
	_ =	sdelay $0x3  }
0x92: {  	_ =	strace s17  }
0x93: {  	s2 =	sld [smem:$0x3FFC];
	_ =	sdelay $0x3  }
0x94: {  	_ =	strace s2  }
0x95: {  	s2 =	sld [smem:$0x3FFD];
	_ =	sdelay $0x3  }
0x96: {  	_ =	strace s2  }
0x97: {  	_ =	strace $0x8FFFFFFF  }
0x98: {  	s18 =	sld [smem:$0x3FDB];
	_ =	sdelay $0x1  }
0x99: {  	s19 =	simm.s32 $_scs_section_size  }
0x9a: {  	s4 =	simm.s32 $_size__tile_overlayer_lowered;
	s5 =	simm.s32 $_tile_overlayer_lowered  }
0x9b: {  	s22 =	simm.s32 $0x1BFF;
	s21 =	sshll.u32 s5, $0x1;
	s2 =	sadd.s32 s19, s18  }
0x9c: {  	s6 =	simm.s32 $0x0;
	s20 =	sshll.u32 s4, $0x1;
	s4 =	sadd.s32 s21, s2  }
0x9d: {  	[timem:s6], [sflag:s22] =	dma.local [hbm:s4], s20  }
0x9e: {  	_ =	swait.ge [sflag:s22], s20  }
0x9f: {  	s3 =	ssub.s32 $0x0, s20;
	[sflag:s22] =	ssyncset.done $0x0  }
0xa0: {  	[sflag:s22] =	ssyncadd.s32 s3;
	_ =	sdelay $0x1  }
0xa1: {  	s23 =	simm.s32 $0x1B8B  }
0xa2: {  	_ =	swait.ge [sflag:s23], $0x1  }
0xa3: {  	[sflag:s23] =	ssyncset.done $0x0  }
0xa4: {  	s25 =	simm.s32 $0x1B8E;
	s24 =	sld [smem:$0x3FFE];
	[sflag:s23] =	ssyncadd.s32 $0xFFFFFFFF  }
0xa5: {  	s26 =	simm.s32 $execute0_lowered;
	[smem:$0x3FD2] =	sst s25  }
0xa6: {  	s4 =	sshll.u32 s26, $0x1;
	_ =	strace $0x80000046;
	[dreg:$0x1] =	wrdreg $0xFFFFFFFF  }
0xa7: {  	s28 =	simm.s32 $_size_execute0_lowered;
	s2 =	sadd.s32 s2, s4;
	[dreg:$0x0] =	wrdreg $0x0  }
0xa8: {  	s4 =	sshll.u32 s28, $0x1;
	[dreg:$0x2] =	wrdreg s2  }
0xa9: {  	[dreg:$0x3] =	wrdreg s4  }
0xaa: {  	[dreg:$0x4] =	wrdreg $0xC0  }
0xab: {  	_ =	task [dreg:s6], $0x5FFFF  }
0xac: {  	[dreg:$0x1] =	wrdreg $0xFFFFFFFF  }
0xad: {  	[dreg:$0x0] =	wrdreg $0x60  }
0xae: {  	[dreg:$0x2] =	wrdreg s24  }
0xaf: {  	[dreg:$0x3] =	wrdreg $0x9  }
0xb0: {  	_ =	task.clear_ibuf [dreg:s6], $0x4FFFF;
	_ =	strace $0x90000046  }
0xb1: {  	s29 =	simm.s32 $0x9;
	_ =	strace $0x80000048  }
0xb2: {  	_ =	swait.ge [sflag:s29], $0x1  }
0xb3: {  	[sflag:s29] =	ssyncadd.s32 $0xFFFFFFFF  }
0xb4: {  	_ =	strace $0x90000048  }
0xb5: {  	_ =	sfence  }
0xb6: {  	s30 =	sld [smem:$0x0];
	_ =	sdelay $0x2  }
0xb7: {  	s31 =	sshll.u32 s1, $0xD;
	s1 =	sshrl.u32 s1, $0x2  }
0xb8: {  	s3 =	sand.u32 $0x4000, s31;
	s1 =	sadd.s32 s1, s30  }
0xb9: {  	s0 =	sor.u32 s3, s0;
	s1 =	sshll.u32 s1, $0x11  }
0xba: {  	s0 =	sor.u32 s1, s0  }
0xbb: {  	s0 =	sadd.s32 $0x8F2B, s0  }
0xbc: {  	[sflag:s0] =	ssyncadd.remote.s32 $0x1  }
0xbd: {  	_ =	sfence.sel $0xFFFF  }
0xbe: {  	[dreg:$0x0] =	wrdreg $0xFFFFFFFF;
	(pc) =	sbr.abs _section_cstart, $3  }
0xbf: {  	[dreg:$0x1] =	wrdreg $0xFFFFFFFF  }
0xc0: {  	_ =	task.clear_ibuf [dreg:s6], $0x2FFFF;
	_ =	strace $0x9FFFFFFF  }
0xc1: {  	(tm) =	ssettm $0x7FFFFFFF  }
tec
execute0_lowered:
.L_overlay_start_1:
0x0: {  	(tag) =	ssettag $0x1  }
0x1: {  	s1 =	srdreg.scid  }
0x2: {  	s0 =	stileid.u32;
	s5 =	rddreg [dreg:$0x0];
	s6 =	sand.u32 $0x1, s1  }
0x3: {  	s2 =	simm.s32 $0x0;
	s3 =	sshll.u32 s0, $0x7;
	s4 =	sshll.u32 s6, $0x6  }
0x4: {  	[smem:$0x7FF] =	sst s2;
	s3 =	sor.u32 s4, s3  }
0x5: {  	s1 =	rddreg [dreg:$0x1];
	_ =	strace $0x80000047;
	s8 =	sadd.s32 s3, s5  }
0x6: {  	s9 =	ssub.s32 $0x2, s6;
	s3 =	simm.s32 $0x2;
	s4 =	sadd.s32 $0x600, s8  }
0x7: {  	[tilespmem:s2], [sflag:$0x2] =	stream.linear.gather [hbm4b:s4+s2], $0x200, $0x38;
	[tilespmem:$0x400] =	vst v63  }
0x8: {  	s7 =	simm.s32 $0x1;
	s10 =	sshrl.u32 s9, $0x1;
	_ =	swait.ge [sflag:s3], $0x200  }
0x9: {  	s6 =	simm.s32 $0x200;
	s9 =	ssub.s32 s9, s10;
	[sflag:s3] =	ssyncset.done $0x0  }
0xa: {  	s5 =	sadd.s32 $0x200E00, s5;
	s9 =	smax.u32 s9, $0x1;
	[sflag:s3] =	ssyncadd.s32 $0xFFFFFE00  }
0xb: {  	[tilespmem:s6], [sflag:$0x1] =	stream.indirect.gather [hbm4b:s5+s6], $0x1, s2, s6, $0xb8;
	[tilespmem:$0x400] =	vst v63  }
0xc: {  	p0 =	sne.s32 s9, $0x1;
	_ =	swait.ge [sflag:s7], $0x200  }
.Ltmp0:
0xd: {  	[sflag:s7] =	ssyncset.done $0x0;
	(pc) =	sbr.rel @!p0 .LBB2_2-.Ltmp0, $4  }
0xe: {  	s8 =	sadd.s32 $0x3F4E00, s8;
	[sflag:s7] =	ssyncadd.s32 $0xFFFFFE00  }
0xf: {  	[hbm4b:s8+s2] =	stream.linear.scatter [tilespmem:s6], [sflag:$0x2], $0x200, $0x38;
	[tilespmem:$0x400] =	vst v63  }
0x10: {  	_ =	swait.ge [sflag:s3], $0x200  }
0x11: {  	s9 =	sadd.s32 $0xFFFFFFFF, s9;
	[sflag:s3] =	ssyncset.done $0x0  }
.LBB2_1:
0x12: {  	p0 =	sne.s32 s9, $0x1;
	s9 =	sadd.s32 $0xFFFFFFFF, s9;
	[sflag:s3] =	ssyncadd.s32 $0xFFFFFE00  }
0x13: {  	[tilespmem:s2], [sflag:$0x2] =	stream.linear.gather [hbm4b:s4+s2], $0x200, $0x38;
	[tilespmem:$0x400] =	vst v63  }
0x14: {  	_ =	swait.ge [sflag:s3], $0x200  }
0x15: {  	[sflag:s3] =	ssyncset.done $0x0  }
0x16: {  	[sflag:s3] =	ssyncadd.s32 $0xFFFFFE00  }
0x17: {  	[tilespmem:s6], [sflag:$0x1] =	stream.indirect.gather [hbm4b:s5+s6], $0x1, s2, s6, $0xb8;
	[tilespmem:$0x400] =	vst v63  }
0x18: {  	_ =	swait.ge [sflag:s7], $0x200  }
.Ltmp1:
0x19: {  	[sflag:s7] =	ssyncset.done $0x0;
	(pc) =	sbr.rel @p0 .LBB2_1-.Ltmp1, $4  }
0x1a: {  	[sflag:s7] =	ssyncadd.s32 $0xFFFFFE00  }
0x1b: {  	[hbm4b:s8+s2] =	stream.linear.scatter [tilespmem:s6], [sflag:$0x2], $0x200, $0x38;
	[tilespmem:$0x400] =	vst v63  }
0x1c: {  	_ =	swait.ge [sflag:s3], $0x200  }
0x1d: {  	[sflag:s3] =	ssyncset.done $0x0  }
.LBB2_2:
0x1e: {  	[sflag:s3] =	ssyncadd.s32 $0xFFFFFE00  }
0x1f: {  	_ =	sfence.sel $0x180000  }
0x20: {  	[bflag:$0x0] =	sbarrier.arrive $0xFFFF  }
0x21: {  	p0 =	sne.s32 s0, $0x0;
	_ =	strace $0x90000047  }
0x22: {  	s0 =	sadd.s32 @!p0 $0x100000, s1;
	[bflag:$0x2] =	sbarrier.arrive $0xFFFF  }
0x23: {  	[sflag:s0] =	ssyncadd.tile.s32 @!p0 $0x1;
	_ =	shalt  }
.Lfunc_end2:
_tile_overlayer_lowered:
.L_overlay_start_2:
0x24: {  	(tag) =	ssettag $0x2  }
0x25: {  	s0 =	rddreg [dreg:$0x0];
	s2 =	stileid.u32  }
0x26: {  	s1 =	rddreg [dreg:$0x1];
	p0 =	sne.s32 s2, $0x0  }
0x27: {  	s3 =	rddreg [dreg:$0x2];
	[bflag:$0x3] =	sbarrier.arrive $0xFFFF;
	s2 =	simm.s32 @!p0 $0x1C02  }
0x28: {  	[timem:s3], [sflag:s2] =	dma.local @!p0 [hbm:s0], s1  }
0x29: {  	s0 =	simm.s32 @!p0 $0x2  }
0x2a: {  	_ =	swait.ge @!p0 [sflag:s0], s1  }
0x2b: {  	s1 =	ssub.s32 @!p0 $0x0, s1;
	[sflag:s0] =	ssyncset.done @!p0 $0x0  }
0x2c: {  	[sflag:s0] =	ssyncadd.s32 @!p0 s1  }
0x2d: {  	[bflag:$0x3] =	sbarrier.arrive $0xFFFF  }
0x2e: {  	_ =	shalt  }

</sc_bundles>
